<compile_context>
chip_gen: v7x
topology: tpu7x:2x2x1
jax: 0.10.2.dev20260603
libtpu: 0.0.44.dev20260713+nightly
codegen_flags: <defaults>
</compile_context>

<pallas_src>
import jax
import jax.numpy as jnp
from jax import lax
from jax.experimental import pallas as pl
from jax.experimental.pallas import tpu as pltpu
from jax.experimental.pallas import tpu_sc as plsc

N = 10000
E = 320000
D = 128
CLS = 1000

NC = 2
NS = 16
NW = NC * NS
EPW = E // NW
C = 80
EPWP = 10240
K = EPWP // C
KB = 8
NBLK = K // KB
NBUF = 3
PF = 2
NPAD = 10240
RPT = NPAD // NS


def _sc_body(x_hbm, src_hbm, dst_hbm, zrow_hbm, zdeg_hbm,
             sum_out, deg_out,
             src_v, dst_v, rows_v, deg_v, accum_sh, sem):
    cid = lax.axis_index("c")
    sid = lax.axis_index("s")
    wid = sid * NC + cid

    pltpu.sync_copy(zrow_hbm, accum_sh.at[pl.ds(sid * RPT, RPT)])
    pltpu.sync_copy(zdeg_hbm, deg_v)
    plsc.subcore_barrier()

    ones16 = jnp.full((16,), 1.0, jnp.float32)

    pltpu.sync_copy(src_hbm.at[wid, pl.ds(0, KB)], src_v.at[0])
    pltpu.sync_copy(dst_hbm.at[wid, pl.ds(0, KB)], dst_v.at[0])
    for jf in range(PF):
        pltpu.async_copy(x_hbm.at[src_v.at[0, jf]], rows_v.at[jf], sem)

    def step(j, carry):
        p = lax.rem(j, NBUF)
        b = lax.div(j, KB)
        q = lax.rem(b, 2)
        jj = lax.rem(j, KB)
        pltpu.make_async_copy(x_hbm.at[src_v.at[q, jj]], rows_v.at[p],
                              sem).wait()

        @pl.when(jnp.logical_and(jj == 0, b + 1 < NBLK))
        def _stage_next_block():
            off = pl.multiple_of((b + 1) * KB, KB)
            pltpu.sync_copy(src_hbm.at[wid, pl.ds(off, KB)],
                            src_v.at[1 - q])
            pltpu.sync_copy(dst_hbm.at[wid, pl.ds(off, KB)],
                            dst_v.at[1 - q])

        jf = j + PF

        @pl.when(jf < K)
        def _fire_ahead():
            qf = lax.rem(lax.div(jf, KB), 2)
            pltpu.async_copy(
                x_hbm.at[src_v.at[qf, lax.rem(jf, KB)]],
                rows_v.at[lax.rem(jf, NBUF)], sem)

        for v in range(C // 16):
            idx = dst_v[q, jj, pl.ds(v * 16, 16)]
            plsc.addupdate_scatter(deg_v, [idx], ones16)
        pltpu.sync_copy(rows_v.at[p], accum_sh.at[dst_v.at[q, jj]], add=True)

        return carry

    lax.fori_loop(0, K, step, 0)
    plsc.subcore_barrier()

    pltpu.sync_copy(accum_sh.at[pl.ds(sid * RPT, RPT)],
                    sum_out.at[cid, pl.ds(sid * RPT, RPT)])
    pltpu.sync_copy(deg_v, deg_out.at[cid, sid])


def _sc_call(x, src3, dst3, zrow, zdeg):
    return pl.kernel(
        _sc_body,
        out_type=(jax.ShapeDtypeStruct((NC, NPAD, D), jnp.float32),
                  jax.ShapeDtypeStruct((NC, NS, NPAD), jnp.float32)),
        mesh=plsc.VectorSubcoreMesh(core_axis_name="c", subcore_axis_name="s",
                                    num_cores=NC, num_subcores=NS),
        compiler_params=pltpu.CompilerParams(needs_layout_passes=False),
        scratch_types=(
            pltpu.VMEM((2, KB, C), jnp.int32),
            pltpu.VMEM((2, KB, C), jnp.int32),
            pltpu.VMEM((NBUF, C, D), jnp.float32),
            pltpu.VMEM((NPAD,), jnp.float32),
            pltpu.VMEM_SHARED((NPAD, D), jnp.float32),
            pltpu.SemaphoreType.DMA,
        ),
    )(x, src3, dst3, zrow, zdeg)


BLK = 1024


def _tc_body(sum_ref, deg_ref, x_ref, wl_ref, bl_ref, wr_ref, wcls_ref,
             out_ref):
    summed = sum_ref[0] + sum_ref[1]
    deg = jnp.sum(deg_ref[...].reshape(NC * NS, BLK), axis=0)
    agg = summed / jnp.maximum(deg, 1.0)[:, None]
    h = (jnp.dot(agg, wl_ref[...], preferred_element_type=jnp.float32)
         + bl_ref[...]
         + jnp.dot(x_ref[...], wr_ref[...], preferred_element_type=jnp.float32))
    hn = h / jnp.maximum(
        jnp.sqrt(jnp.sum(h * h, axis=1, keepdims=True)), 1e-12)
    w = wcls_ref[...]
    wn = w / jnp.maximum(
        jnp.sqrt(jnp.sum(w * w, axis=0, keepdims=True)), 1e-12)
    out_ref[...] = jnp.dot(hn, wn, preferred_element_type=jnp.float32)


def _tc_head(sums, degs, x, W_l, b_l, W_r, W_cls):
    grid = ((N + BLK - 1) // BLK,)
    return pl.pallas_call(
        _tc_body,
        grid=grid,
        in_specs=[
            pl.BlockSpec((NC, BLK, D), lambda i: (0, i, 0)),
            pl.BlockSpec((NC, NS, BLK), lambda i: (0, 0, i)),
            pl.BlockSpec((BLK, D), lambda i: (i, 0)),
            pl.BlockSpec((D, D), lambda i: (0, 0)),
            pl.BlockSpec((1, D), lambda i: (0, 0)),
            pl.BlockSpec((D, D), lambda i: (0, 0)),
            pl.BlockSpec((D, CLS), lambda i: (0, 0)),
        ],
        out_specs=pl.BlockSpec((BLK, CLS), lambda i: (i, 0)),
        out_shape=jax.ShapeDtypeStruct((N, CLS), jnp.float32),
    )(sums, degs, x, W_l, b_l, W_r, W_cls)


def kernel(x, edge_index, W_l, b_l, W_r, W_cls):
    src = edge_index[0].astype(jnp.int32).reshape(NW, EPW)
    dst = edge_index[1].astype(jnp.int32).reshape(NW, EPW)
    pad_src = jnp.zeros((NW, EPWP - EPW), jnp.int32)
    pad_dst = jnp.broadcast_to(
        N + jnp.arange(EPWP - EPW, dtype=jnp.int32)[None, :],
        (NW, EPWP - EPW))
    src3 = jnp.concatenate([src, pad_src], axis=1).reshape(NW, K, C)
    dst3 = jnp.concatenate([dst, pad_dst], axis=1).reshape(NW, K, C)
    zrow = jnp.zeros((RPT, D), jnp.float32)
    zdeg = jnp.zeros((NPAD,), jnp.float32)
    sums, degs = _sc_call(x, src3, dst3, zrow, zdeg)
    return _tc_head(sums, degs, x, W_l, b_l.reshape(1, D), W_r, W_cls)

# --- scband reference (transcript-rebuilt; emitter-appended) ---
"""Pipeline reference for scband-classifier-gcn-1176821039655 (READ-ONLY COPY).

The authoritative reference and input builder live on the scoring server;
editing this copy changes nothing except your own understanding.
"""

import jax, jax.numpy as jnp
import numpy as np

N_NODES = 10000
N_EDGES = 320000
HID_DIM = 128
NUM_CLS = 1000


def setup_inputs(seed: int = 0) -> dict:
    key = jax.random.key(seed)
    k1, k2, k3, k4, k5, k6 = jax.random.split(key, 6)
    x = jax.random.normal(k1, (N_NODES, HID_DIM), dtype=jnp.float32)
    edge_index = jax.random.randint(k2, (2, N_EDGES), 0, N_NODES).astype(jnp.int64)
    scale = 1.0 / np.sqrt(HID_DIM)
    # SAGEConv params: lin_l acts on aggregated neighbors (with bias), lin_r on root (no bias)
    W_l = jax.random.uniform(k3, (HID_DIM, HID_DIM), dtype=jnp.float32, minval=-scale, maxval=scale)
    b_l = jnp.zeros((HID_DIM,), dtype=jnp.float32)
    W_r = jax.random.uniform(k4, (HID_DIM, HID_DIM), dtype=jnp.float32, minval=-scale, maxval=scale)
    # NormedLinear weight [in_features, out_features]
    W_cls = jax.random.uniform(k5, (HID_DIM, NUM_CLS), dtype=jnp.float32, minval=-1.0, maxval=1.0)
    return {"x": x, "edge_index": edge_index, "W_l": W_l, "b_l": b_l, "W_r": W_r, "W_cls": W_cls}


def reference(x, edge_index, W_l, b_l, W_r, W_cls):
    src = edge_index[0]
    dst = edge_index[1]
    # SAGEConv with mean aggregation: gather source node features per edge
    msgs = jnp.take(x, src, axis=0)
    summed = jax.ops.segment_sum(msgs, dst, num_segments=N_NODES)
    deg = jax.ops.segment_sum(jnp.ones((N_EDGES,), dtype=jnp.float32), dst, num_segments=N_NODES)
    agg = summed / jnp.clip(deg, 1.0, None)[:, None]
    h = agg @ W_l + b_l + x @ W_r
    # NormedLinear_new: F.normalize(h, dim=1) @ F.normalize(W_cls, dim=0)
    h_norm = h / jnp.clip(jnp.linalg.norm(h, axis=1, keepdims=True), 1e-12, None)
    w_norm = W_cls / jnp.clip(jnp.linalg.norm(W_cls, axis=0, keepdims=True), 1e-12, None)
    out = h_norm @ w_norm
    return out

if __name__ == "__main__":
    import jax
    _d = setup_inputs()
    print(jax.jit(kernel)(*tuple(_d.values())))

</pallas_src>

<mosaic_0001>
#map = affine_map<(d0, d1) -> (0, 0)>
#map1 = affine_map<(d0, d1) -> (0, 0, 0)>
#map2 = affine_map<(d0, d1) -> (0)>
module attributes {stable_mosaic.version = 14 : i64} {
  func.func @_sc_body(%arg0: i32, %arg1: i32, %arg2: memref<10000x128xf32, #tpu.memory_space<hbm>>, %arg3: memref<32x128x80xi32, #tpu.memory_space<hbm>>, %arg4: memref<32x128x80xi32, #tpu.memory_space<hbm>>, %arg5: memref<640x128xf32, #tpu.memory_space<hbm>>, %arg6: memref<10240xf32, #tpu.memory_space<hbm>>, %arg7: memref<2x10240x128xf32, #tpu.memory_space<hbm>>, %arg8: memref<2x16x10240xf32, #tpu.memory_space<hbm>>, %arg9: memref<2x8x80xi32, #tpu.memory_space<vmem>>, %arg10: memref<2x8x80xi32, #tpu.memory_space<vmem>>, %arg11: memref<3x80x128xf32, #tpu.memory_space<vmem>>, %arg12: memref<10240xf32, #tpu.memory_space<vmem>>, %arg13: memref<10240x128xf32, #tpu.memory_space<vmem_shared>>, %arg14: memref<!tpu.dma_semaphore, #tpu.memory_space<semaphore_mem>>) attributes {dimension_semantics = [#tpu.dimension_semantics<core_parallel>, #tpu.dimension_semantics<subcore_parallel>], iteration_bounds = array<i64: 2, 16>, scalar_prefetch = 0 : i64, scratch_operands = 6 : i64, tpu.core_type = #tpu.core_type<sc_vector_subcore>, window_params = [{transform_indices = #map}, {transform_indices = #map1}, {transform_indices = #map1}, {transform_indices = #map}, {transform_indices = #map2}, {transform_indices = #map1}, {transform_indices = #map1}]} {
    %mul3A = arith.constant 2 : i32
    %mul3A_0 = arith.muli %arg1, %mul3A : i32
    %add3A = arith.addi %mul3A_0, %arg0 : i32
    %mul3A_1 = arith.constant 640 : i32
    %mul3A_2 = arith.muli %arg1, %mul3A_1 : i32
    "tpu.region"() ({
      %run_scoped3A_40 = tpu.sem_alloc : memref<!tpu.dma_semaphore, #tpu.memory_space<semaphore_mem>>
      %dma_start3A_41 = arith.constant 0 : i32
      %dma_start3A_42 = tpu.memref_slice %arg13[%mul3A_2, %dma_start3A_41] : memref<10240x128xf32, #tpu.memory_space<vmem_shared>> -> memref<640x128xf32, #tpu.memory_space<vmem_shared>>
      tpu.enqueue_dma source(%arg5 : memref<640x128xf32, #tpu.memory_space<hbm>>) target(%dma_start3A_42 : memref<640x128xf32, #tpu.memory_space<vmem_shared>>) target_semaphore(%run_scoped3A_40 : memref<!tpu.dma_semaphore, #tpu.memory_space<semaphore_mem>>)
      %dma_wait3A = arith.constant 0 : i32
      %dma_wait3A_43 = tpu.memref_slice %arg13[%mul3A_2, %dma_wait3A] : memref<10240x128xf32, #tpu.memory_space<vmem_shared>> -> memref<640x128xf32, #tpu.memory_space<vmem_shared>>
      tpu.wait_dma2 semaphore(%run_scoped3A_40 : memref<!tpu.dma_semaphore, #tpu.memory_space<semaphore_mem>>) src(%arg5 : memref<640x128xf32, #tpu.memory_space<hbm>>) dst(%dma_wait3A_43 : memref<640x128xf32, #tpu.memory_space<vmem_shared>>)
      tpu.yield
    }) : () -> ()
    "tpu.region"() ({
      %run_scoped3A_40 = tpu.sem_alloc : memref<!tpu.dma_semaphore, #tpu.memory_space<semaphore_mem>>
      tpu.enqueue_dma source(%arg6 : memref<10240xf32, #tpu.memory_space<hbm>>) target(%arg12 : memref<10240xf32, #tpu.memory_space<vmem>>) target_semaphore(%run_scoped3A_40 : memref<!tpu.dma_semaphore, #tpu.memory_space<semaphore_mem>>)
      tpu.wait_dma2 semaphore(%run_scoped3A_40 : memref<!tpu.dma_semaphore, #tpu.memory_space<semaphore_mem>>) src(%arg6 : memref<10240xf32, #tpu.memory_space<hbm>>) dst(%arg12 : memref<10240xf32, #tpu.memory_space<vmem>>)
      tpu.yield
    }) : () -> ()
    %barrier3A = arith.constant 0 : index
    tpu.barrier barrier_id(%barrier3A)
    %broadcast_in_dim3A = arith.constant 1.000000e+00 : f32
    %broadcast_in_dim3A_3 = vector.broadcast %broadcast_in_dim3A : f32 to vector<16xf32>
    %run_scoped3A = arith.constant 0 : i32
    "tpu.region"() ({
      %run_scoped3A_40 = tpu.sem_alloc : memref<!tpu.dma_semaphore, #tpu.memory_space<semaphore_mem>>
      %dma_start3A_41 = arith.constant 0 : i32
      %dma_start3A_42 = arith.constant 0 : i32
      %dma_start3A_43 = tpu.memref_slice %arg9[%run_scoped3A, %dma_start3A_41, %dma_start3A_42] : memref<2x8x80xi32, #tpu.memory_space<vmem>> -> memref<1x8x80xi32, #tpu.memory_space<vmem>>
      %dma_start3A_44 = tpu.memref_squeeze %dma_start3A_43 : memref<1x8x80xi32, #tpu.memory_space<vmem>> -> memref<8x80xi32, #tpu.memory_space<vmem>>
      %dma_start3A_45 = arith.constant 0 : i32
      %dma_start3A_46 = arith.constant 0 : i32
      %dma_start3A_47 = tpu.memref_slice %arg3[%add3A, %dma_start3A_45, %dma_start3A_46] : memref<32x128x80xi32, #tpu.memory_space<hbm>> -> memref<1x8x80xi32, #tpu.memory_space<hbm>>
      %dma_start3A_48 = tpu.memref_squeeze %dma_start3A_47 : memref<1x8x80xi32, #tpu.memory_space<hbm>> -> memref<8x80xi32, #tpu.memory_space<hbm>>
      %dma_start3A_49 = arith.constant 0 : i32
      %dma_start3A_50 = arith.constant 0 : i32
      %dma_start3A_51 = tpu.memref_slice %arg9[%run_scoped3A, %dma_start3A_49, %dma_start3A_50] : memref<2x8x80xi32, #tpu.memory_space<vmem>> -> memref<1x8x80xi32, #tpu.memory_space<vmem>>
      %dma_start3A_52 = tpu.memref_squeeze %dma_start3A_51 : memref<1x8x80xi32, #tpu.memory_space<vmem>> -> memref<8x80xi32, #tpu.memory_space<vmem>>
      %dma_start3A_53 = arith.constant 0 : i32
      %dma_start3A_54 = arith.constant 0 : i32
      %dma_start3A_55 = tpu.memref_slice %arg3[%add3A, %dma_start3A_53, %dma_start3A_54] : memref<32x128x80xi32, #tpu.memory_space<hbm>> -> memref<1x8x80xi32, #tpu.memory_space<hbm>>
      %dma_start3A_56 = tpu.memref_squeeze %dma_start3A_55 : memref<1x8x80xi32, #tpu.memory_space<hbm>> -> memref<8x80xi32, #tpu.memory_space<hbm>>
      tpu.enqueue_dma source(%dma_start3A_56 : memref<8x80xi32, #tpu.memory_space<hbm>>) target(%dma_start3A_52 : memref<8x80xi32, #tpu.memory_space<vmem>>) target_semaphore(%run_scoped3A_40 : memref<!tpu.dma_semaphore, #tpu.memory_space<semaphore_mem>>)
      %dma_wait3A = arith.constant 0 : i32
      %dma_wait3A_57 = arith.constant 0 : i32
      %dma_wait3A_58 = tpu.memref_slice %arg9[%run_scoped3A, %dma_wait3A, %dma_wait3A_57] : memref<2x8x80xi32, #tpu.memory_space<vmem>> -> memref<1x8x80xi32, #tpu.memory_space<vmem>>
      %dma_wait3A_59 = tpu.memref_squeeze %dma_wait3A_58 : memref<1x8x80xi32, #tpu.memory_space<vmem>> -> memref<8x80xi32, #tpu.memory_space<vmem>>
      %dma_wait3A_60 = arith.constant 0 : i32
      %dma_wait3A_61 = arith.constant 0 : i32
      %dma_wait3A_62 = tpu.memref_slice %arg3[%add3A, %dma_wait3A_60, %dma_wait3A_61] : memref<32x128x80xi32, #tpu.memory_space<hbm>> -> memref<1x8x80xi32, #tpu.memory_space<hbm>>
      %dma_wait3A_63 = tpu.memref_squeeze %dma_wait3A_62 : memref<1x8x80xi32, #tpu.memory_space<hbm>> -> memref<8x80xi32, #tpu.memory_space<hbm>>
      %dma_wait3A_64 = arith.constant 0 : i32
      %dma_wait3A_65 = arith.constant 0 : i32
      %dma_wait3A_66 = tpu.memref_slice %arg9[%run_scoped3A, %dma_wait3A_64, %dma_wait3A_65] : memref<2x8x80xi32, #tpu.memory_space<vmem>> -> memref<1x8x80xi32, #tpu.memory_space<vmem>>
      %dma_wait3A_67 = tpu.memref_squeeze %dma_wait3A_66 : memref<1x8x80xi32, #tpu.memory_space<vmem>> -> memref<8x80xi32, #tpu.memory_space<vmem>>
      %dma_wait3A_68 = arith.constant 0 : i32
      %dma_wait3A_69 = arith.constant 0 : i32
      %dma_wait3A_70 = tpu.memref_slice %arg3[%add3A, %dma_wait3A_68, %dma_wait3A_69] : memref<32x128x80xi32, #tpu.memory_space<hbm>> -> memref<1x8x80xi32, #tpu.memory_space<hbm>>
      %dma_wait3A_71 = tpu.memref_squeeze %dma_wait3A_70 : memref<1x8x80xi32, #tpu.memory_space<hbm>> -> memref<8x80xi32, #tpu.memory_space<hbm>>
      tpu.wait_dma2 semaphore(%run_scoped3A_40 : memref<!tpu.dma_semaphore, #tpu.memory_space<semaphore_mem>>) src(%dma_wait3A_71 : memref<8x80xi32, #tpu.memory_space<hbm>>) dst(%dma_wait3A_67 : memref<8x80xi32, #tpu.memory_space<vmem>>)
      tpu.yield
    }) : () -> ()
    %run_scoped3A_4 = arith.constant 0 : i32
    "tpu.region"() ({
      %run_scoped3A_40 = tpu.sem_alloc : memref<!tpu.dma_semaphore, #tpu.memory_space<semaphore_mem>>
      %dma_start3A_41 = arith.constant 0 : i32
      %dma_start3A_42 = arith.constant 0 : i32
      %dma_start3A_43 = tpu.memref_slice %arg10[%run_scoped3A_4, %dma_start3A_41, %dma_start3A_42] : memref<2x8x80xi32, #tpu.memory_space<vmem>> -> memref<1x8x80xi32, #tpu.memory_space<vmem>>
      %dma_start3A_44 = tpu.memref_squeeze %dma_start3A_43 : memref<1x8x80xi32, #tpu.memory_space<vmem>> -> memref<8x80xi32, #tpu.memory_space<vmem>>
      %dma_start3A_45 = arith.constant 0 : i32
      %dma_start3A_46 = arith.constant 0 : i32
      %dma_start3A_47 = tpu.memref_slice %arg4[%add3A, %dma_start3A_45, %dma_start3A_46] : memref<32x128x80xi32, #tpu.memory_space<hbm>> -> memref<1x8x80xi32, #tpu.memory_space<hbm>>
      %dma_start3A_48 = tpu.memref_squeeze %dma_start3A_47 : memref<1x8x80xi32, #tpu.memory_space<hbm>> -> memref<8x80xi32, #tpu.memory_space<hbm>>
      %dma_start3A_49 = arith.constant 0 : i32
      %dma_start3A_50 = arith.constant 0 : i32
      %dma_start3A_51 = tpu.memref_slice %arg10[%run_scoped3A_4, %dma_start3A_49, %dma_start3A_50] : memref<2x8x80xi32, #tpu.memory_space<vmem>> -> memref<1x8x80xi32, #tpu.memory_space<vmem>>
      %dma_start3A_52 = tpu.memref_squeeze %dma_start3A_51 : memref<1x8x80xi32, #tpu.memory_space<vmem>> -> memref<8x80xi32, #tpu.memory_space<vmem>>
      %dma_start3A_53 = arith.constant 0 : i32
      %dma_start3A_54 = arith.constant 0 : i32
      %dma_start3A_55 = tpu.memref_slice %arg4[%add3A, %dma_start3A_53, %dma_start3A_54] : memref<32x128x80xi32, #tpu.memory_space<hbm>> -> memref<1x8x80xi32, #tpu.memory_space<hbm>>
      %dma_start3A_56 = tpu.memref_squeeze %dma_start3A_55 : memref<1x8x80xi32, #tpu.memory_space<hbm>> -> memref<8x80xi32, #tpu.memory_space<hbm>>
      tpu.enqueue_dma source(%dma_start3A_56 : memref<8x80xi32, #tpu.memory_space<hbm>>) target(%dma_start3A_52 : memref<8x80xi32, #tpu.memory_space<vmem>>) target_semaphore(%run_scoped3A_40 : memref<!tpu.dma_semaphore, #tpu.memory_space<semaphore_mem>>)
      %dma_wait3A = arith.constant 0 : i32
      %dma_wait3A_57 = arith.constant 0 : i32
      %dma_wait3A_58 = tpu.memref_slice %arg10[%run_scoped3A_4, %dma_wait3A, %dma_wait3A_57] : memref<2x8x80xi32, #tpu.memory_space<vmem>> -> memref<1x8x80xi32, #tpu.memory_space<vmem>>
      %dma_wait3A_59 = tpu.memref_squeeze %dma_wait3A_58 : memref<1x8x80xi32, #tpu.memory_space<vmem>> -> memref<8x80xi32, #tpu.memory_space<vmem>>
      %dma_wait3A_60 = arith.constant 0 : i32
      %dma_wait3A_61 = arith.constant 0 : i32
      %dma_wait3A_62 = tpu.memref_slice %arg4[%add3A, %dma_wait3A_60, %dma_wait3A_61] : memref<32x128x80xi32, #tpu.memory_space<hbm>> -> memref<1x8x80xi32, #tpu.memory_space<hbm>>
      %dma_wait3A_63 = tpu.memref_squeeze %dma_wait3A_62 : memref<1x8x80xi32, #tpu.memory_space<hbm>> -> memref<8x80xi32, #tpu.memory_space<hbm>>
      %dma_wait3A_64 = arith.constant 0 : i32
      %dma_wait3A_65 = arith.constant 0 : i32
      %dma_wait3A_66 = tpu.memref_slice %arg10[%run_scoped3A_4, %dma_wait3A_64, %dma_wait3A_65] : memref<2x8x80xi32, #tpu.memory_space<vmem>> -> memref<1x8x80xi32, #tpu.memory_space<vmem>>
      %dma_wait3A_67 = tpu.memref_squeeze %dma_wait3A_66 : memref<1x8x80xi32, #tpu.memory_space<vmem>> -> memref<8x80xi32, #tpu.memory_space<vmem>>
      %dma_wait3A_68 = arith.constant 0 : i32
      %dma_wait3A_69 = arith.constant 0 : i32
      %dma_wait3A_70 = tpu.memref_slice %arg4[%add3A, %dma_wait3A_68, %dma_wait3A_69] : memref<32x128x80xi32, #tpu.memory_space<hbm>> -> memref<1x8x80xi32, #tpu.memory_space<hbm>>
      %dma_wait3A_71 = tpu.memref_squeeze %dma_wait3A_70 : memref<1x8x80xi32, #tpu.memory_space<hbm>> -> memref<8x80xi32, #tpu.memory_space<hbm>>
      tpu.wait_dma2 semaphore(%run_scoped3A_40 : memref<!tpu.dma_semaphore, #tpu.memory_space<semaphore_mem>>) src(%dma_wait3A_71 : memref<8x80xi32, #tpu.memory_space<hbm>>) dst(%dma_wait3A_67 : memref<8x80xi32, #tpu.memory_space<vmem>>)
      tpu.yield
    }) : () -> ()
    %dma_start3A = arith.constant 0 : i32
    %dma_start3A_5 = arith.constant 0 : i32
    %dma_start3A_6 = arith.constant 0 : i32
    %dma_start3A_7 = arith.constant 0 : i32
    %dma_start3A_8 = arith.constant 0 : i32
    %dma_start3A_9 = tpu.memref_slice %arg11[%dma_start3A_6, %dma_start3A_7, %dma_start3A_8] : memref<3x80x128xf32, #tpu.memory_space<vmem>> -> memref<1x80x128xf32, #tpu.memory_space<vmem>>
    %dma_start3A_10 = tpu.memref_squeeze %dma_start3A_9 : memref<1x80x128xf32, #tpu.memory_space<vmem>> -> memref<80x128xf32, #tpu.memory_space<vmem>>
    %dma_start3A_11 = arith.constant 0 : i32
    %dma_start3A_12 = tpu.memref_slice %arg9[%dma_start3A, %dma_start3A_5, %dma_start3A_11] : memref<2x8x80xi32, #tpu.memory_space<vmem>> -> memref<1x1x80xi32, #tpu.memory_space<vmem>>
    %dma_start3A_13 = tpu.memref_squeeze %dma_start3A_12 : memref<1x1x80xi32, #tpu.memory_space<vmem>> -> memref<80xi32, #tpu.memory_space<vmem>>
    %dma_start3A_14 = arith.constant 0 : i32
    %dma_start3A_15 = arith.constant 0 : i32
    %dma_start3A_16 = tpu.memref_slice %arg2[%dma_start3A_14, %dma_start3A_15] : memref<10000x128xf32, #tpu.memory_space<hbm>> -> memref<10000x128xf32, #tpu.memory_space<hbm>>
    tpu.enqueue_indirect_dma source(%dma_start3A_16 : memref<10000x128xf32, #tpu.memory_space<hbm>>) target(%dma_start3A_10 : memref<80x128xf32, #tpu.memory_space<vmem>>) offsets(%dma_start3A_13 : memref<80xi32, #tpu.memory_space<vmem>>) semaphore(%arg14 : memref<!tpu.dma_semaphore, #tpu.memory_space<semaphore_mem>>)
    %dma_start3A_17 = arith.constant 0 : i32
    %dma_start3A_18 = arith.constant 1 : i32
    %dma_start3A_19 = arith.constant 1 : i32
    %dma_start3A_20 = arith.constant 0 : i32
    %dma_start3A_21 = arith.constant 0 : i32
    %dma_start3A_22 = tpu.memref_slice %arg11[%dma_start3A_19, %dma_start3A_20, %dma_start3A_21] : memref<3x80x128xf32, #tpu.memory_space<vmem>> -> memref<1x80x128xf32, #tpu.memory_space<vmem>>
    %dma_start3A_23 = tpu.memref_squeeze %dma_start3A_22 : memref<1x80x128xf32, #tpu.memory_space<vmem>> -> memref<80x128xf32, #tpu.memory_space<vmem>>
    %dma_start3A_24 = arith.constant 0 : i32
    %dma_start3A_25 = tpu.memref_slice %arg9[%dma_start3A_17, %dma_start3A_18, %dma_start3A_24] : memref<2x8x80xi32, #tpu.memory_space<vmem>> -> memref<1x1x80xi32, #tpu.memory_space<vmem>>
    %dma_start3A_26 = tpu.memref_squeeze %dma_start3A_25 : memref<1x1x80xi32, #tpu.memory_space<vmem>> -> memref<80xi32, #tpu.memory_space<vmem>>
    %dma_start3A_27 = arith.constant 0 : i32
    %dma_start3A_28 = arith.constant 0 : i32
    %dma_start3A_29 = tpu.memref_slice %arg2[%dma_start3A_27, %dma_start3A_28] : memref<10000x128xf32, #tpu.memory_space<hbm>> -> memref<10000x128xf32, #tpu.memory_space<hbm>>
    tpu.enqueue_indirect_dma source(%dma_start3A_29 : memref<10000x128xf32, #tpu.memory_space<hbm>>) target(%dma_start3A_23 : memref<80x128xf32, #tpu.memory_space<vmem>>) offsets(%dma_start3A_26 : memref<80xi32, #tpu.memory_space<vmem>>) semaphore(%arg14 : memref<!tpu.dma_semaphore, #tpu.memory_space<semaphore_mem>>)
    %scan3A = arith.constant 0 : i32
    %scan3A_30 = arith.constant 0 : i32
    %scan3A_31 = arith.constant 128 : i32
    %scan3A_32 = arith.addi %scan3A_30, %scan3A_31 : i32
    %scan3A_33 = arith.constant 1 : i32
    scf.for %scan3A_40 = %scan3A_30 to %scan3A_32 step %scan3A_33  : i32 {
      %rem3A = arith.constant 3 : i32
      %rem3A_41 = arith.remsi %scan3A_40, %rem3A : i32
      %div3A = arith.constant 8 : i32
      %div3A_42 = arith.divsi %scan3A_40, %div3A : i32
      %rem3A_43 = arith.constant 2 : i32
      %rem3A_44 = arith.remsi %div3A_42, %rem3A_43 : i32
      %rem3A_45 = arith.constant 8 : i32
      %rem3A_46 = arith.remsi %scan3A_40, %rem3A_45 : i32
      %dma_wait3A = arith.constant 0 : i32
      %dma_wait3A_47 = arith.constant 0 : i32
      %dma_wait3A_48 = tpu.memref_slice %arg11[%rem3A_41, %dma_wait3A, %dma_wait3A_47] : memref<3x80x128xf32, #tpu.memory_space<vmem>> -> memref<1x80x128xf32, #tpu.memory_space<vmem>>
      %dma_wait3A_49 = tpu.memref_squeeze %dma_wait3A_48 : memref<1x80x128xf32, #tpu.memory_space<vmem>> -> memref<80x128xf32, #tpu.memory_space<vmem>>
      %dma_wait3A_50 = arith.constant 0 : i32
      %dma_wait3A_51 = tpu.memref_slice %arg9[%rem3A_44, %rem3A_46, %dma_wait3A_50] : memref<2x8x80xi32, #tpu.memory_space<vmem>> -> memref<1x1x80xi32, #tpu.memory_space<vmem>>
      %dma_wait3A_52 = tpu.memref_squeeze %dma_wait3A_51 : memref<1x1x80xi32, #tpu.memory_space<vmem>> -> memref<80xi32, #tpu.memory_space<vmem>>
      %dma_wait3A_53 = arith.constant 0 : i32
      %dma_wait3A_54 = arith.constant 0 : i32
      %dma_wait3A_55 = tpu.memref_slice %arg2[%dma_wait3A_53, %dma_wait3A_54] : memref<10000x128xf32, #tpu.memory_space<hbm>> -> memref<10000x128xf32, #tpu.memory_space<hbm>>
      tpu.wait_indirect_dma semaphore(%arg14 : memref<!tpu.dma_semaphore, #tpu.memory_space<semaphore_mem>>) src(%dma_wait3A_55 : memref<10000x128xf32, #tpu.memory_space<hbm>>) dst(%dma_wait3A_49 : memref<80x128xf32, #tpu.memory_space<vmem>>)
      %eq3A = arith.constant 0 : i32
      %eq3A_56 = arith.cmpi eq, %rem3A_46, %eq3A : i32
      %add3A_57 = arith.constant 1 : i32
      %add3A_58 = arith.addi %div3A_42, %add3A_57 : i32
      %lt3A = arith.constant 16 : i32
      %lt3A_59 = arith.cmpi slt, %add3A_58, %lt3A : i32
      %and3A = arith.andi %eq3A_56, %lt3A_59 : i1
      %convert_element_type3A = arith.extui %and3A : i1 to i32
      %cond3A = arith.constant 0 : i32
      %cond3A_60 = arith.cmpi ne, %convert_element_type3A, %cond3A : i32
      scf.if %cond3A_60 {
        %add3A_87 = arith.constant 1 : i32
        %add3A_88 = arith.addi %div3A_42, %add3A_87 : i32
        %mul3A_89 = arith.constant 8 : i32
        %mul3A_90 = arith.muli %add3A_88, %mul3A_89 : i32
        %multiple_of3A = tpu.assume_multiple %mul3A_90, 8 : i32
        %sub3A = arith.constant 1 : i32
        %sub3A_91 = arith.subi %sub3A, %rem3A_44 : i32
        "tpu.region"() ({
          %run_scoped3A_94 = tpu.sem_alloc : memref<!tpu.dma_semaphore, #tpu.memory_space<semaphore_mem>>
          %dma_start3A_95 = arith.constant 0 : i32
          %dma_start3A_96 = arith.constant 0 : i32
          %dma_start3A_97 = tpu.memref_slice %arg9[%sub3A_91, %dma_start3A_95, %dma_start3A_96] : memref<2x8x80xi32, #tpu.memory_space<vmem>> -> memref<1x8x80xi32, #tpu.memory_space<vmem>>
          %dma_start3A_98 = tpu.memref_squeeze %dma_start3A_97 : memref<1x8x80xi32, #tpu.memory_space<vmem>> -> memref<8x80xi32, #tpu.memory_space<vmem>>
          %dma_start3A_99 = arith.constant 0 : i32
          %dma_start3A_100 = tpu.memref_slice %arg3[%add3A, %multiple_of3A, %dma_start3A_99] : memref<32x128x80xi32, #tpu.memory_space<hbm>> -> memref<1x8x80xi32, #tpu.memory_space<hbm>>
          %dma_start3A_101 = tpu.memref_squeeze %dma_start3A_100 : memref<1x8x80xi32, #tpu.memory_space<hbm>> -> memref<8x80xi32, #tpu.memory_space<hbm>>
          %dma_start3A_102 = arith.constant 0 : i32
          %dma_start3A_103 = arith.constant 0 : i32
          %dma_start3A_104 = tpu.memref_slice %arg9[%sub3A_91, %dma_start3A_102, %dma_start3A_103] : memref<2x8x80xi32, #tpu.memory_space<vmem>> -> memref<1x8x80xi32, #tpu.memory_space<vmem>>
          %dma_start3A_105 = tpu.memref_squeeze %dma_start3A_104 : memref<1x8x80xi32, #tpu.memory_space<vmem>> -> memref<8x80xi32, #tpu.memory_space<vmem>>
          %dma_start3A_106 = arith.constant 0 : i32
          %dma_start3A_107 = tpu.memref_slice %arg3[%add3A, %multiple_of3A, %dma_start3A_106] : memref<32x128x80xi32, #tpu.memory_space<hbm>> -> memref<1x8x80xi32, #tpu.memory_space<hbm>>
          %dma_start3A_108 = tpu.memref_squeeze %dma_start3A_107 : memref<1x8x80xi32, #tpu.memory_space<hbm>> -> memref<8x80xi32, #tpu.memory_space<hbm>>
          tpu.enqueue_dma source(%dma_start3A_108 : memref<8x80xi32, #tpu.memory_space<hbm>>) target(%dma_start3A_105 : memref<8x80xi32, #tpu.memory_space<vmem>>) target_semaphore(%run_scoped3A_94 : memref<!tpu.dma_semaphore, #tpu.memory_space<semaphore_mem>>)
          %dma_wait3A_109 = arith.constant 0 : i32
          %dma_wait3A_110 = arith.constant 0 : i32
          %dma_wait3A_111 = tpu.memref_slice %arg9[%sub3A_91, %dma_wait3A_109, %dma_wait3A_110] : memref<2x8x80xi32, #tpu.memory_space<vmem>> -> memref<1x8x80xi32, #tpu.memory_space<vmem>>
          %dma_wait3A_112 = tpu.memref_squeeze %dma_wait3A_111 : memref<1x8x80xi32, #tpu.memory_space<vmem>> -> memref<8x80xi32, #tpu.memory_space<vmem>>
          %dma_wait3A_113 = arith.constant 0 : i32
          %dma_wait3A_114 = tpu.memref_slice %arg3[%add3A, %multiple_of3A, %dma_wait3A_113] : memref<32x128x80xi32, #tpu.memory_space<hbm>> -> memref<1x8x80xi32, #tpu.memory_space<hbm>>
          %dma_wait3A_115 = tpu.memref_squeeze %dma_wait3A_114 : memref<1x8x80xi32, #tpu.memory_space<hbm>> -> memref<8x80xi32, #tpu.memory_space<hbm>>
          %dma_wait3A_116 = arith.constant 0 : i32
          %dma_wait3A_117 = arith.constant 0 : i32
          %dma_wait3A_118 = tpu.memref_slice %arg9[%sub3A_91, %dma_wait3A_116, %dma_wait3A_117] : memref<2x8x80xi32, #tpu.memory_space<vmem>> -> memref<1x8x80xi32, #tpu.memory_space<vmem>>
          %dma_wait3A_119 = tpu.memref_squeeze %dma_wait3A_118 : memref<1x8x80xi32, #tpu.memory_space<vmem>> -> memref<8x80xi32, #tpu.memory_space<vmem>>
          %dma_wait3A_120 = arith.constant 0 : i32
          %dma_wait3A_121 = tpu.memref_slice %arg3[%add3A, %multiple_of3A, %dma_wait3A_120] : memref<32x128x80xi32, #tpu.memory_space<hbm>> -> memref<1x8x80xi32, #tpu.memory_space<hbm>>
          %dma_wait3A_122 = tpu.memref_squeeze %dma_wait3A_121 : memref<1x8x80xi32, #tpu.memory_space<hbm>> -> memref<8x80xi32, #tpu.memory_space<hbm>>
          tpu.wait_dma2 semaphore(%run_scoped3A_94 : memref<!tpu.dma_semaphore, #tpu.memory_space<semaphore_mem>>) src(%dma_wait3A_122 : memref<8x80xi32, #tpu.memory_space<hbm>>) dst(%dma_wait3A_119 : memref<8x80xi32, #tpu.memory_space<vmem>>)
          tpu.yield
        }) : () -> ()
        %sub3A_92 = arith.constant 1 : i32
        %sub3A_93 = arith.subi %sub3A_92, %rem3A_44 : i32
        "tpu.region"() ({
          %run_scoped3A_94 = tpu.sem_alloc : memref<!tpu.dma_semaphore, #tpu.memory_space<semaphore_mem>>
          %dma_start3A_95 = arith.constant 0 : i32
          %dma_start3A_96 = arith.constant 0 : i32
          %dma_start3A_97 = tpu.memref_slice %arg10[%sub3A_93, %dma_start3A_95, %dma_start3A_96] : memref<2x8x80xi32, #tpu.memory_space<vmem>> -> memref<1x8x80xi32, #tpu.memory_space<vmem>>
          %dma_start3A_98 = tpu.memref_squeeze %dma_start3A_97 : memref<1x8x80xi32, #tpu.memory_space<vmem>> -> memref<8x80xi32, #tpu.memory_space<vmem>>
          %dma_start3A_99 = arith.constant 0 : i32
          %dma_start3A_100 = tpu.memref_slice %arg4[%add3A, %multiple_of3A, %dma_start3A_99] : memref<32x128x80xi32, #tpu.memory_space<hbm>> -> memref<1x8x80xi32, #tpu.memory_space<hbm>>
          %dma_start3A_101 = tpu.memref_squeeze %dma_start3A_100 : memref<1x8x80xi32, #tpu.memory_space<hbm>> -> memref<8x80xi32, #tpu.memory_space<hbm>>
          %dma_start3A_102 = arith.constant 0 : i32
          %dma_start3A_103 = arith.constant 0 : i32
          %dma_start3A_104 = tpu.memref_slice %arg10[%sub3A_93, %dma_start3A_102, %dma_start3A_103] : memref<2x8x80xi32, #tpu.memory_space<vmem>> -> memref<1x8x80xi32, #tpu.memory_space<vmem>>
          %dma_start3A_105 = tpu.memref_squeeze %dma_start3A_104 : memref<1x8x80xi32, #tpu.memory_space<vmem>> -> memref<8x80xi32, #tpu.memory_space<vmem>>
          %dma_start3A_106 = arith.constant 0 : i32
          %dma_start3A_107 = tpu.memref_slice %arg4[%add3A, %multiple_of3A, %dma_start3A_106] : memref<32x128x80xi32, #tpu.memory_space<hbm>> -> memref<1x8x80xi32, #tpu.memory_space<hbm>>
          %dma_start3A_108 = tpu.memref_squeeze %dma_start3A_107 : memref<1x8x80xi32, #tpu.memory_space<hbm>> -> memref<8x80xi32, #tpu.memory_space<hbm>>
          tpu.enqueue_dma source(%dma_start3A_108 : memref<8x80xi32, #tpu.memory_space<hbm>>) target(%dma_start3A_105 : memref<8x80xi32, #tpu.memory_space<vmem>>) target_semaphore(%run_scoped3A_94 : memref<!tpu.dma_semaphore, #tpu.memory_space<semaphore_mem>>)
          %dma_wait3A_109 = arith.constant 0 : i32
          %dma_wait3A_110 = arith.constant 0 : i32
          %dma_wait3A_111 = tpu.memref_slice %arg10[%sub3A_93, %dma_wait3A_109, %dma_wait3A_110] : memref<2x8x80xi32, #tpu.memory_space<vmem>> -> memref<1x8x80xi32, #tpu.memory_space<vmem>>
          %dma_wait3A_112 = tpu.memref_squeeze %dma_wait3A_111 : memref<1x8x80xi32, #tpu.memory_space<vmem>> -> memref<8x80xi32, #tpu.memory_space<vmem>>
          %dma_wait3A_113 = arith.constant 0 : i32
          %dma_wait3A_114 = tpu.memref_slice %arg4[%add3A, %multiple_of3A, %dma_wait3A_113] : memref<32x128x80xi32, #tpu.memory_space<hbm>> -> memref<1x8x80xi32, #tpu.memory_space<hbm>>
          %dma_wait3A_115 = tpu.memref_squeeze %dma_wait3A_114 : memref<1x8x80xi32, #tpu.memory_space<hbm>> -> memref<8x80xi32, #tpu.memory_space<hbm>>
          %dma_wait3A_116 = arith.constant 0 : i32
          %dma_wait3A_117 = arith.constant 0 : i32
          %dma_wait3A_118 = tpu.memref_slice %arg10[%sub3A_93, %dma_wait3A_116, %dma_wait3A_117] : memref<2x8x80xi32, #tpu.memory_space<vmem>> -> memref<1x8x80xi32, #tpu.memory_space<vmem>>
          %dma_wait3A_119 = tpu.memref_squeeze %dma_wait3A_118 : memref<1x8x80xi32, #tpu.memory_space<vmem>> -> memref<8x80xi32, #tpu.memory_space<vmem>>
          %dma_wait3A_120 = arith.constant 0 : i32
          %dma_wait3A_121 = tpu.memref_slice %arg4[%add3A, %multiple_of3A, %dma_wait3A_120] : memref<32x128x80xi32, #tpu.memory_space<hbm>> -> memref<1x8x80xi32, #tpu.memory_space<hbm>>
          %dma_wait3A_122 = tpu.memref_squeeze %dma_wait3A_121 : memref<1x8x80xi32, #tpu.memory_space<hbm>> -> memref<8x80xi32, #tpu.memory_space<hbm>>
          tpu.wait_dma2 semaphore(%run_scoped3A_94 : memref<!tpu.dma_semaphore, #tpu.memory_space<semaphore_mem>>) src(%dma_wait3A_122 : memref<8x80xi32, #tpu.memory_space<hbm>>) dst(%dma_wait3A_119 : memref<8x80xi32, #tpu.memory_space<vmem>>)
          tpu.yield
        }) : () -> ()
      } else {
      }
      %add3A_61 = arith.constant 2 : i32
      %add3A_62 = arith.addi %scan3A_40, %add3A_61 : i32
      %lt3A_63 = arith.constant 128 : i32
      %lt3A_64 = arith.cmpi slt, %add3A_62, %lt3A_63 : i32
      %convert_element_type3A_65 = arith.extui %lt3A_64 : i1 to i32
      %cond3A_66 = arith.constant 0 : i32
      %cond3A_67 = arith.cmpi ne, %convert_element_type3A_65, %cond3A_66 : i32
      scf.if %cond3A_67 {
        %div3A_87 = arith.constant 8 : i32
        %div3A_88 = arith.divsi %add3A_62, %div3A_87 : i32
        %rem3A_89 = arith.constant 2 : i32
        %rem3A_90 = arith.remsi %div3A_88, %rem3A_89 : i32
        %rem3A_91 = arith.constant 8 : i32
        %rem3A_92 = arith.remsi %add3A_62, %rem3A_91 : i32
        %rem3A_93 = arith.constant 3 : i32
        %rem3A_94 = arith.remsi %add3A_62, %rem3A_93 : i32
        %dma_start3A_95 = arith.constant 0 : i32
        %dma_start3A_96 = arith.constant 0 : i32
        %dma_start3A_97 = tpu.memref_slice %arg11[%rem3A_94, %dma_start3A_95, %dma_start3A_96] : memref<3x80x128xf32, #tpu.memory_space<vmem>> -> memref<1x80x128xf32, #tpu.memory_space<vmem>>
        %dma_start3A_98 = tpu.memref_squeeze %dma_start3A_97 : memref<1x80x128xf32, #tpu.memory_space<vmem>> -> memref<80x128xf32, #tpu.memory_space<vmem>>
        %dma_start3A_99 = arith.constant 0 : i32
        %dma_start3A_100 = tpu.memref_slice %arg9[%rem3A_90, %rem3A_92, %dma_start3A_99] : memref<2x8x80xi32, #tpu.memory_space<vmem>> -> memref<1x1x80xi32, #tpu.memory_space<vmem>>
        %dma_start3A_101 = tpu.memref_squeeze %dma_start3A_100 : memref<1x1x80xi32, #tpu.memory_space<vmem>> -> memref<80xi32, #tpu.memory_space<vmem>>
        %dma_start3A_102 = arith.constant 0 : i32
        %dma_start3A_103 = arith.constant 0 : i32
        %dma_start3A_104 = tpu.memref_slice %arg2[%dma_start3A_102, %dma_start3A_103] : memref<10000x128xf32, #tpu.memory_space<hbm>> -> memref<10000x128xf32, #tpu.memory_space<hbm>>
        tpu.enqueue_indirect_dma source(%dma_start3A_104 : memref<10000x128xf32, #tpu.memory_space<hbm>>) target(%dma_start3A_98 : memref<80x128xf32, #tpu.memory_space<vmem>>) offsets(%dma_start3A_101 : memref<80xi32, #tpu.memory_space<vmem>>) semaphore(%arg14 : memref<!tpu.dma_semaphore, #tpu.memory_space<semaphore_mem>>)
      } else {
      }
      %get3A = arith.index_cast %rem3A_44 : i32 to index
      %get3A_68 = arith.index_cast %rem3A_46 : i32 to index
      %get3A_69 = arith.constant 0 : index
      %get3A_70 = tpu.vector_load %arg10[%get3A, %get3A_68, %get3A_69] {strides = array<i32>} : memref<2x8x80xi32, #tpu.memory_space<vmem>>, vector<16xi32>,
      tpu.vector_store_idx %arg12[%get3A_70], %broadcast_in_dim3A_3 {add = true} : memref<10240xf32, #tpu.memory_space<vmem>>[vector<16xi32>], vector<16xf32>,
      %get3A_71 = arith.index_cast %rem3A_44 : i32 to index
      %get3A_72 = arith.index_cast %rem3A_46 : i32 to index
      %get3A_73 = arith.constant 16 : index
      %get3A_74 = tpu.vector_load %arg10[%get3A_71, %get3A_72, %get3A_73] {strides = array<i32>} : memref<2x8x80xi32, #tpu.memory_space<vmem>>, vector<16xi32>,
      tpu.vector_store_idx %arg12[%get3A_74], %broadcast_in_dim3A_3 {add = true} : memref<10240xf32, #tpu.memory_space<vmem>>[vector<16xi32>], vector<16xf32>,
      %get3A_75 = arith.index_cast %rem3A_44 : i32 to index
      %get3A_76 = arith.index_cast %rem3A_46 : i32 to index
      %get3A_77 = arith.constant 32 : index
      %get3A_78 = tpu.vector_load %arg10[%get3A_75, %get3A_76, %get3A_77] {strides = array<i32>} : memref<2x8x80xi32, #tpu.memory_space<vmem>>, vector<16xi32>,
      tpu.vector_store_idx %arg12[%get3A_78], %broadcast_in_dim3A_3 {add = true} : memref<10240xf32, #tpu.memory_space<vmem>>[vector<16xi32>], vector<16xf32>,
      %get3A_79 = arith.index_cast %rem3A_44 : i32 to index
      %get3A_80 = arith.index_cast %rem3A_46 : i32 to index
      %get3A_81 = arith.constant 48 : index
      %get3A_82 = tpu.vector_load %arg10[%get3A_79, %get3A_80, %get3A_81] {strides = array<i32>} : memref<2x8x80xi32, #tpu.memory_space<vmem>>, vector<16xi32>,
      tpu.vector_store_idx %arg12[%get3A_82], %broadcast_in_dim3A_3 {add = true} : memref<10240xf32, #tpu.memory_space<vmem>>[vector<16xi32>], vector<16xf32>,
      %get3A_83 = arith.index_cast %rem3A_44 : i32 to index
      %get3A_84 = arith.index_cast %rem3A_46 : i32 to index
      %get3A_85 = arith.constant 64 : index
      %get3A_86 = tpu.vector_load %arg10[%get3A_83, %get3A_84, %get3A_85] {strides = array<i32>} : memref<2x8x80xi32, #tpu.memory_space<vmem>>, vector<16xi32>,
      tpu.vector_store_idx %arg12[%get3A_86], %broadcast_in_dim3A_3 {add = true} : memref<10240xf32, #tpu.memory_space<vmem>>[vector<16xi32>], vector<16xf32>,
      "tpu.region"() ({
        %run_scoped3A_87 = tpu.sem_alloc : memref<!tpu.dma_semaphore, #tpu.memory_space<semaphore_mem>>
        %dma_start3A_88 = arith.constant 0 : i32
        %dma_start3A_89 = arith.constant 0 : i32
        %dma_start3A_90 = tpu.memref_slice %arg11[%rem3A_41, %dma_start3A_88, %dma_start3A_89] : memref<3x80x128xf32, #tpu.memory_space<vmem>> -> memref<1x80x128xf32, #tpu.memory_space<vmem>>
        %dma_start3A_91 = tpu.memref_squeeze %dma_start3A_90 : memref<1x80x128xf32, #tpu.memory_space<vmem>> -> memref<80x128xf32, #tpu.memory_space<vmem>>
        %dma_start3A_92 = arith.constant 0 : i32
        %dma_start3A_93 = tpu.memref_slice %arg10[%rem3A_44, %rem3A_46, %dma_start3A_92] : memref<2x8x80xi32, #tpu.memory_space<vmem>> -> memref<1x1x80xi32, #tpu.memory_space<vmem>>
        %dma_start3A_94 = tpu.memref_squeeze %dma_start3A_93 : memref<1x1x80xi32, #tpu.memory_space<vmem>> -> memref<80xi32, #tpu.memory_space<vmem>>
        %dma_start3A_95 = arith.constant 0 : i32
        %dma_start3A_96 = arith.constant 0 : i32
        %dma_start3A_97 = tpu.memref_slice %arg13[%dma_start3A_95, %dma_start3A_96] : memref<10240x128xf32, #tpu.memory_space<vmem_shared>> -> memref<10240x128xf32, #tpu.memory_space<vmem_shared>>
        tpu.enqueue_indirect_dma source(%dma_start3A_91 : memref<80x128xf32, #tpu.memory_space<vmem>>) target(%dma_start3A_97 : memref<10240x128xf32, #tpu.memory_space<vmem_shared>>) offsets(%dma_start3A_94 : memref<80xi32, #tpu.memory_space<vmem>>) semaphore(%run_scoped3A_87 : memref<!tpu.dma_semaphore, #tpu.memory_space<semaphore_mem>>) {add = true}
        %dma_wait3A_98 = arith.constant 0 : i32
        %dma_wait3A_99 = arith.constant 0 : i32
        %dma_wait3A_100 = tpu.memref_slice %arg11[%rem3A_41, %dma_wait3A_98, %dma_wait3A_99] : memref<3x80x128xf32, #tpu.memory_space<vmem>> -> memref<1x80x128xf32, #tpu.memory_space<vmem>>
        %dma_wait3A_101 = tpu.memref_squeeze %dma_wait3A_100 : memref<1x80x128xf32, #tpu.memory_space<vmem>> -> memref<80x128xf32, #tpu.memory_space<vmem>>
        %dma_wait3A_102 = arith.constant 0 : i32
        %dma_wait3A_103 = tpu.memref_slice %arg10[%rem3A_44, %rem3A_46, %dma_wait3A_102] : memref<2x8x80xi32, #tpu.memory_space<vmem>> -> memref<1x1x80xi32, #tpu.memory_space<vmem>>
        %dma_wait3A_104 = tpu.memref_squeeze %dma_wait3A_103 : memref<1x1x80xi32, #tpu.memory_space<vmem>> -> memref<80xi32, #tpu.memory_space<vmem>>
        %dma_wait3A_105 = arith.constant 0 : i32
        %dma_wait3A_106 = arith.constant 0 : i32
        %dma_wait3A_107 = tpu.memref_slice %arg13[%dma_wait3A_105, %dma_wait3A_106] : memref<10240x128xf32, #tpu.memory_space<vmem_shared>> -> memref<10240x128xf32, #tpu.memory_space<vmem_shared>>
        tpu.wait_indirect_dma semaphore(%run_scoped3A_87 : memref<!tpu.dma_semaphore, #tpu.memory_space<semaphore_mem>>) src(%dma_wait3A_101 : memref<80x128xf32, #tpu.memory_space<vmem>>) dst(%dma_wait3A_107 : memref<10240x128xf32, #tpu.memory_space<vmem_shared>>)
        tpu.yield
      }) : () -> ()
    }
    %scan3A_34 = arith.constant 128 : i32
    %barrier3A_35 = arith.constant 0 : index
    tpu.barrier barrier_id(%barrier3A_35)
    %mul3A_36 = arith.constant 640 : i32
    %mul3A_37 = arith.muli %arg1, %mul3A_36 : i32
    %mul3A_38 = arith.constant 640 : i32
    %mul3A_39 = arith.muli %arg1, %mul3A_38 : i32
    "tpu.region"() ({
      %run_scoped3A_40 = tpu.sem_alloc : memref<!tpu.dma_semaphore, #tpu.memory_space<semaphore_mem>>
      %dma_start3A_41 = arith.constant 0 : i32
      %dma_start3A_42 = tpu.memref_slice %arg7[%arg0, %mul3A_39, %dma_start3A_41] : memref<2x10240x128xf32, #tpu.memory_space<hbm>> -> memref<1x640x128xf32, #tpu.memory_space<hbm>>
      %dma_start3A_43 = tpu.memref_squeeze %dma_start3A_42 : memref<1x640x128xf32, #tpu.memory_space<hbm>> -> memref<640x128xf32, #tpu.memory_space<hbm>>
      %dma_start3A_44 = arith.constant 0 : i32
      %dma_start3A_45 = tpu.memref_slice %arg13[%mul3A_37, %dma_start3A_44] : memref<10240x128xf32, #tpu.memory_space<vmem_shared>> -> memref<640x128xf32, #tpu.memory_space<vmem_shared>>
      tpu.enqueue_dma source(%dma_start3A_45 : memref<640x128xf32, #tpu.memory_space<vmem_shared>>) target(%dma_start3A_43 : memref<640x128xf32, #tpu.memory_space<hbm>>) target_semaphore(%run_scoped3A_40 : memref<!tpu.dma_semaphore, #tpu.memory_space<semaphore_mem>>)
      %dma_wait3A = arith.constant 0 : i32
      %dma_wait3A_46 = tpu.memref_slice %arg7[%arg0, %mul3A_39, %dma_wait3A] : memref<2x10240x128xf32, #tpu.memory_space<hbm>> -> memref<1x640x128xf32, #tpu.memory_space<hbm>>
      %dma_wait3A_47 = tpu.memref_squeeze %dma_wait3A_46 : memref<1x640x128xf32, #tpu.memory_space<hbm>> -> memref<640x128xf32, #tpu.memory_space<hbm>>
      %dma_wait3A_48 = arith.constant 0 : i32
      %dma_wait3A_49 = tpu.memref_slice %arg13[%mul3A_37, %dma_wait3A_48] : memref<10240x128xf32, #tpu.memory_space<vmem_shared>> -> memref<640x128xf32, #tpu.memory_space<vmem_shared>>
      tpu.wait_dma2 semaphore(%run_scoped3A_40 : memref<!tpu.dma_semaphore, #tpu.memory_space<semaphore_mem>>) src(%dma_wait3A_49 : memref<640x128xf32, #tpu.memory_space<vmem_shared>>) dst(%dma_wait3A_47 : memref<640x128xf32, #tpu.memory_space<hbm>>)
      tpu.yield
    }) : () -> ()
    "tpu.region"() ({
      %run_scoped3A_40 = tpu.sem_alloc : memref<!tpu.dma_semaphore, #tpu.memory_space<semaphore_mem>>
      %dma_start3A_41 = arith.constant 0 : i32
      %dma_start3A_42 = tpu.memref_slice %arg8[%arg0, %arg1, %dma_start3A_41] : memref<2x16x10240xf32, #tpu.memory_space<hbm>> -> memref<1x1x10240xf32, #tpu.memory_space<hbm>>
      %dma_start3A_43 = tpu.memref_squeeze %dma_start3A_42 : memref<1x1x10240xf32, #tpu.memory_space<hbm>> -> memref<10240xf32, #tpu.memory_space<hbm>>
      %dma_start3A_44 = arith.constant 0 : i32
      %dma_start3A_45 = tpu.memref_slice %arg8[%arg0, %arg1, %dma_start3A_44] : memref<2x16x10240xf32, #tpu.memory_space<hbm>> -> memref<1x1x10240xf32, #tpu.memory_space<hbm>>
      %dma_start3A_46 = tpu.memref_squeeze %dma_start3A_45 : memref<1x1x10240xf32, #tpu.memory_space<hbm>> -> memref<10240xf32, #tpu.memory_space<hbm>>
      tpu.enqueue_dma source(%arg12 : memref<10240xf32, #tpu.memory_space<vmem>>) target(%dma_start3A_46 : memref<10240xf32, #tpu.memory_space<hbm>>) target_semaphore(%run_scoped3A_40 : memref<!tpu.dma_semaphore, #tpu.memory_space<semaphore_mem>>)
      %dma_wait3A = arith.constant 0 : i32
      %dma_wait3A_47 = tpu.memref_slice %arg8[%arg0, %arg1, %dma_wait3A] : memref<2x16x10240xf32, #tpu.memory_space<hbm>> -> memref<1x1x10240xf32, #tpu.memory_space<hbm>>
      %dma_wait3A_48 = tpu.memref_squeeze %dma_wait3A_47 : memref<1x1x10240xf32, #tpu.memory_space<hbm>> -> memref<10240xf32, #tpu.memory_space<hbm>>
      %dma_wait3A_49 = arith.constant 0 : i32
      %dma_wait3A_50 = tpu.memref_slice %arg8[%arg0, %arg1, %dma_wait3A_49] : memref<2x16x10240xf32, #tpu.memory_space<hbm>> -> memref<1x1x10240xf32, #tpu.memory_space<hbm>>
      %dma_wait3A_51 = tpu.memref_squeeze %dma_wait3A_50 : memref<1x1x10240xf32, #tpu.memory_space<hbm>> -> memref<10240xf32, #tpu.memory_space<hbm>>
      tpu.wait_dma2 semaphore(%run_scoped3A_40 : memref<!tpu.dma_semaphore, #tpu.memory_space<semaphore_mem>>) src(%arg12 : memref<10240xf32, #tpu.memory_space<vmem>>) dst(%dma_wait3A_51 : memref<10240xf32, #tpu.memory_space<hbm>>)
      tpu.yield
    }) : () -> ()
    return
  }
}

module attributes {stable_mosaic.version = 14 : i64} {
  func.func @_tc_body(%arg0: i32, %arg1: memref<2x1024x128xf32, #tpu.memory_space<vmem>>, %arg2: memref<2x16x1024xf32, #tpu.memory_space<vmem>>, %arg3: memref<1024x128xf32, #tpu.memory_space<vmem>>, %arg4: memref<128x128xf32, #tpu.memory_space<vmem>>, %arg5: memref<1x128xf32, #tpu.memory_space<vmem>>, %arg6: memref<128x128xf32, #tpu.memory_space<vmem>>, %arg7: memref<128x1000xf32, #tpu.memory_space<vmem>>, %arg8: memref<1024x1000xf32, #tpu.memory_space<vmem>>) attributes {dimension_semantics = [#tpu.dimension_semantics<arbitrary>], iteration_bounds = array<i64: 10>, scalar_prefetch = 0 : i64, scratch_operands = 0 : i64, tpu.core_type = #tpu.core_type<tc>, window_params = [{transform_indices = @transform_0, window_bounds = array<i64: 2, 1024, 128>}, {transform_indices = @transform_1, window_bounds = array<i64: 2, 16, 1024>}, {transform_indices = @transform_2, window_bounds = array<i64: 1024, 128>}, {pipeline_mode = #tpu.pipeline_mode<synchronous>, transform_indices = @transform_3, window_bounds = array<i64: 128, 128>}, {pipeline_mode = #tpu.pipeline_mode<synchronous>, transform_indices = @transform_4, window_bounds = array<i64: 1, 128>}, {pipeline_mode = #tpu.pipeline_mode<synchronous>, transform_indices = @transform_5, window_bounds = array<i64: 128, 128>}, {pipeline_mode = #tpu.pipeline_mode<synchronous>, transform_indices = @transform_6, window_bounds = array<i64: 128, 1000>}, {transform_indices = @transform_7, window_bounds = array<i64: 1024, 1000>}]} {
    %get3A = arith.constant 0 : index
    %get3A_0 = arith.constant 0 : index
    %get3A_1 = arith.constant 0 : index
    %get3A_2 = vector.load %arg1[%get3A, %get3A_0, %get3A_1] : memref<2x1024x128xf32, #tpu.memory_space<vmem>>, vector<1x1024x128xf32>
    %get3A_3 = vector.shape_cast %get3A_2 : vector<1x1024x128xf32> to vector<1024x128xf32>
    %get3A_4 = arith.constant 1 : index
    %get3A_5 = arith.constant 0 : index
    %get3A_6 = arith.constant 0 : index
    %get3A_7 = vector.load %arg1[%get3A_4, %get3A_5, %get3A_6] : memref<2x1024x128xf32, #tpu.memory_space<vmem>>, vector<1x1024x128xf32>
    %get3A_8 = vector.shape_cast %get3A_7 : vector<1x1024x128xf32> to vector<1024x128xf32>
    %add3A = arith.addf %get3A_3, %get3A_8 : vector<1024x128xf32>
    %get3A_9 = arith.constant 0 : index
    %get3A_10 = arith.constant 0 : index
    %get3A_11 = arith.constant 0 : index
    %get3A_12 = vector.load %arg2[%get3A_9, %get3A_10, %get3A_11] : memref<2x16x1024xf32, #tpu.memory_space<vmem>>, vector<2x16x1024xf32>
    %reshape3A = vector.shape_cast %get3A_12 : vector<2x16x1024xf32> to vector<32x1024xf32>
    %reduce_sum3A = arith.constant dense<0.000000e+00> : vector<1024xf32>
    %reduce_sum3A_13 = vector.multi_reduction <add>, %reshape3A, %reduce_sum3A [0] : vector<32x1024xf32> to vector<1024xf32>
    %max3A = arith.constant 1.000000e+00 : f32
    %max3A_14 = vector.broadcast %max3A : f32 to vector<1024xf32>
    %max3A_15 = arith.maximumf %reduce_sum3A_13, %max3A_14 : vector<1024xf32>
    %broadcast_in_dim3A = vector.shape_cast %max3A_15 : vector<1024xf32> to vector<1024x1xf32>
    %div3A = vector.broadcast %broadcast_in_dim3A : vector<1024x1xf32> to vector<1024x128xf32>
    %div3A_16 = arith.divf %add3A, %div3A : vector<1024x128xf32>
    %get3A_17 = arith.constant 0 : index
    %get3A_18 = arith.constant 0 : index
    %get3A_19 = vector.load %arg4[%get3A_17, %get3A_18] : memref<128x128xf32, #tpu.memory_space<vmem>>, vector<128x128xf32>
    %dot_general3A = arith.constant dense<0.000000e+00> : vector<1024x128xf32>
    %dot_general3A_20 = tpu.matmul %div3A_16, %get3A_19, %dot_general3A {dimension_numbers = #tpu.dot_dimension_numbers<[1], [0], [0], [1], [0, 0, 1, 1], [], []>, transpose_lhs_hint = false} : vector<1024x128xf32>, vector<128x128xf32>, vector<1024x128xf32> -> vector<1024x128xf32>
    %get3A_21 = arith.constant 0 : index
    %get3A_22 = arith.constant 0 : index
    %get3A_23 = vector.load %arg5[%get3A_21, %get3A_22] : memref<1x128xf32, #tpu.memory_space<vmem>>, vector<1x128xf32>
    %add3A_24 = vector.broadcast %get3A_23 : vector<1x128xf32> to vector<1024x128xf32>
    %add3A_25 = arith.addf %dot_general3A_20, %add3A_24 : vector<1024x128xf32>
    %get3A_26 = arith.constant 0 : index
    %get3A_27 = arith.constant 0 : index
    %get3A_28 = vector.load %arg3[%get3A_26, %get3A_27] : memref<1024x128xf32, #tpu.memory_space<vmem>>, vector<1024x128xf32>
    %get3A_29 = arith.constant 0 : index
    %get3A_30 = arith.constant 0 : index
    %get3A_31 = vector.load %arg6[%get3A_29, %get3A_30] : memref<128x128xf32, #tpu.memory_space<vmem>>, vector<128x128xf32>
    %dot_general3A_32 = arith.constant dense<0.000000e+00> : vector<1024x128xf32>
    %dot_general3A_33 = tpu.matmul %get3A_28, %get3A_31, %dot_general3A_32 {dimension_numbers = #tpu.dot_dimension_numbers<[1], [0], [0], [1], [0, 0, 1, 1], [], []>, transpose_lhs_hint = false} : vector<1024x128xf32>, vector<128x128xf32>, vector<1024x128xf32> -> vector<1024x128xf32>
    %add3A_34 = arith.addf %add3A_25, %dot_general3A_33 : vector<1024x128xf32>
    %mul3A = arith.mulf %add3A_34, %add3A_34 : vector<1024x128xf32>
    %reduce_sum3A_35 = arith.constant dense<0.000000e+00> : vector<1024xf32>
    %reduce_sum3A_36 = vector.multi_reduction <add>, %mul3A, %reduce_sum3A_35 [1] : vector<1024x128xf32> to vector<1024xf32>
    %broadcast_in_dim3A_37 = vector.shape_cast %reduce_sum3A_36 : vector<1024xf32> to vector<1024x1xf32>
    %sqrt3A = math.sqrt %broadcast_in_dim3A_37 : vector<1024x1xf32>
    %max3A_38 = arith.constant 9.99999996E-13 : f32
    %max3A_39 = vector.broadcast %max3A_38 : f32 to vector<1024x1xf32>
    %max3A_40 = arith.maximumf %sqrt3A, %max3A_39 : vector<1024x1xf32>
    %div3A_41 = vector.broadcast %max3A_40 : vector<1024x1xf32> to vector<1024x128xf32>
    %div3A_42 = arith.divf %add3A_34, %div3A_41 : vector<1024x128xf32>
    %get3A_43 = arith.constant 0 : index
    %get3A_44 = arith.constant 0 : index
    %get3A_45 = vector.load %arg7[%get3A_43, %get3A_44] : memref<128x1000xf32, #tpu.memory_space<vmem>>, vector<128x1000xf32>
    %mul3A_46 = arith.mulf %get3A_45, %get3A_45 : vector<128x1000xf32>
    %reduce_sum3A_47 = arith.constant dense<0.000000e+00> : vector<1000xf32>
    %reduce_sum3A_48 = vector.multi_reduction <add>, %mul3A_46, %reduce_sum3A_47 [0] : vector<128x1000xf32> to vector<1000xf32>
    %broadcast_in_dim3A_49 = vector.shape_cast %reduce_sum3A_48 : vector<1000xf32> to vector<1x1000xf32>
    %sqrt3A_50 = math.sqrt %broadcast_in_dim3A_49 : vector<1x1000xf32>
    %max3A_51 = arith.constant 9.99999996E-13 : f32
    %max3A_52 = vector.broadcast %max3A_51 : f32 to vector<1x1000xf32>
    %max3A_53 = arith.maximumf %sqrt3A_50, %max3A_52 : vector<1x1000xf32>
    %div3A_54 = vector.broadcast %max3A_53 : vector<1x1000xf32> to vector<128x1000xf32>
    %div3A_55 = arith.divf %get3A_45, %div3A_54 : vector<128x1000xf32>
    %dot_general3A_56 = arith.constant dense<0.000000e+00> : vector<1024x1000xf32>
    %dot_general3A_57 = tpu.matmul %div3A_42, %div3A_55, %dot_general3A_56 {dimension_numbers = #tpu.dot_dimension_numbers<[1], [0], [0], [1], [0, 0, 1, 1], [], []>, transpose_lhs_hint = false} : vector<1024x128xf32>, vector<128x1000xf32>, vector<1024x1000xf32> -> vector<1024x1000xf32>
    %swap3A = arith.constant 0 : index
    %swap3A_58 = arith.constant 0 : index
    %swap3A_59 = vector.load %arg8[%swap3A, %swap3A_58] : memref<1024x1000xf32, #tpu.memory_space<vmem>>, vector<1024x1000xf32>
    tpu.vector_store %arg8[%swap3A, %swap3A_58], %dot_general3A_57 {strides = array<i32>} : memref<1024x1000xf32, #tpu.memory_space<vmem>>, vector<1024x1000xf32>,
    return
  }
  func.func @transform_0(%arg0: i32) -> (i32, i32, i32) {
    %c0_i32 = arith.constant 0 : i32
    %c0_i32_0 = arith.constant 0 : i32
    %c0_i32_1 = arith.constant 0 : i32
    return %c0_i32, %arg0, %c0_i32_0 : i32, i32, i32
  }
  func.func @transform_1(%arg0: i32) -> (i32, i32, i32) {
    %c0_i32 = arith.constant 0 : i32
    %c0_i32_0 = arith.constant 0 : i32
    %c0_i32_1 = arith.constant 0 : i32
    return %c0_i32, %c0_i32_0, %arg0 : i32, i32, i32
  }
  func.func @transform_2(%arg0: i32) -> (i32, i32) {
    %c0_i32 = arith.constant 0 : i32
    %c0_i32_0 = arith.constant 0 : i32
    return %arg0, %c0_i32 : i32, i32
  }
  func.func @transform_3(%arg0: i32) -> (i32, i32) {
    %c0_i32 = arith.constant 0 : i32
    %c0_i32_0 = arith.constant 0 : i32
    %c0_i32_1 = arith.constant 0 : i32
    return %c0_i32, %c0_i32_0 : i32, i32
  }
  func.func @transform_4(%arg0: i32) -> (i32, i32) {
    %c0_i32 = arith.constant 0 : i32
    %c0_i32_0 = arith.constant 0 : i32
    %c0_i32_1 = arith.constant 0 : i32
    return %c0_i32, %c0_i32_0 : i32, i32
  }
  func.func @transform_5(%arg0: i32) -> (i32, i32) {
    %c0_i32 = arith.constant 0 : i32
    %c0_i32_0 = arith.constant 0 : i32
    %c0_i32_1 = arith.constant 0 : i32
    return %c0_i32, %c0_i32_0 : i32, i32
  }
  func.func @transform_6(%arg0: i32) -> (i32, i32) {
    %c0_i32 = arith.constant 0 : i32
    %c0_i32_0 = arith.constant 0 : i32
    %c0_i32_1 = arith.constant 0 : i32
    return %c0_i32, %c0_i32_0 : i32, i32
  }
  func.func @transform_7(%arg0: i32) -> (i32, i32) {
    %c0_i32 = arith.constant 0 : i32
    %c0_i32_0 = arith.constant 0 : i32
    return %arg0, %c0_i32 : i32, i32
  }
}

</mosaic_0001>

<sc_bundles>
// kernel: kernel.4.cloned.1.call-start
scs
__scs_entry_jumppad:
0x0: {  	(pc) =	sbr.rel $0x88, $3  }
0x1: {  	(tag) =	ssettag $0x0;
	lr =	simm.s32 $0x1  }
0x2: {  	[smem:$0x3F9B] =	sst lr;
	_ =	strace $0xD0000000  }
0x3: {  	_ = 	snop  }
0x4: {  	_ = 	snop  }
0x5: {  	_ = 	snop  }
0x6: {  	_ = 	snop  }
0x7: {  	_ = 	snop  }
__scs_overlays_trampoline_lowered:
0x8: {  	[smem:$0x3FAA] =	sst s0  }
0x9: {  	[smem:$0x3FAB] =	sst s1  }
0xa: {  	[smem:$0x3FAC] =	sst s2  }
0xb: {  	[smem:$0x3FAD] =	sst s3  }
0xc: {  	[smem:$0x3FAE] =	sst s4  }
0xd: {  	[smem:$0x3FAF] =	sst s5  }
0xe: {  	[smem:$0x3FB0] =	sst s6  }
0xf: {  	[smem:$0x3FB1] =	sst s7  }
0x10: {  	[smem:$0x3FB2] =	sst s8  }
0x11: {  	[smem:$0x3FB3] =	sst s9;
	s0 =	simm.s32 @!p0 $0x0  }
0x12: {  	s1 =	sld [smem:$0x3F99];
	s0 =	simm.s32 @p0 $0x1  }
0x13: {  	[smem:$0x3FB4] =	sst s0;
	s0 =	simm.s32 @!p1 $0x0  }
0x14: {  	s2 =	sld [smem:$0x3F98];
	s0 =	simm.s32 @p1 $0x1  }
0x15: {  	[smem:$0x3FB5] =	sst s0;
	s0 =	simm.s32 @!p2 $0x0  }
0x16: {  	s3 =	sld [smem:$0x3FDB];
	s0 =	simm.s32 @p2 $0x1  }
0x17: {  	s4 =	simm.s32 $0x1BF5;
	[smem:$0x3FB7] =	sst s0  }
0x18: {  	s0 =	sld [smem:$0x3F9A];
	_ =	swait.ge [sflag:s4], $0x0  }
0x19: {  	s7 =	sld [smem:$0x3F9B]  }
0x1a: {  	s8 =	sadd.s32 $0xFFFFE003, lr  }
0x1b: {  	s9 =	sadd.s32 $0xFFFFFEF7, lr;
	s5 =	simm.s32 $0xFFFFFFFF;
	p2 =	slt.u32 s8, $0xFFFFF086  }
0x1c: {  	p1 =	slt.u32 s9, $0xF7A;
	s5 =	simm.s32 @!p2 $0x0  }
0x1d: {  	s5 =	simm.s32 @p1 $0x1;
	p0 =	seq.s32 s7, s2  }
0x1e: {  	s7 =	smul.u32 @!p0 $0xF7A, s2;
	p2 =	seq.s32 @!p0 s5, $0x0  }
0x1f: {  	s9 =	smul.u32 $0xF7A, s1;
	s8 =	simm.s32 @!p0 $0x1BF5;
	p2 =	por !p2, p0  }
0x20: {  	[sflag:s8] =	ssyncset.s32 @!p0 $0xFFFFF086;
	s6 =	sadd.s32 @!p0 s3, s7;
	s7 =	simm.s32 @!p0 $0x108  }
0x21: {  	s3 =	sadd.s32 s3, s9;
	s6 =	sadd.s32 @!p0 $0x88, s6;
	s7 =	simm.s32 @p2 $0x1082  }
0x22: {  	[simem:s7], [sflag:s8] =	dma.local @!p0 [hbm:s6], $0xF7A  }
0x23: {  	s9 =	sor.u32 $0xD0000000, s2;
	s6 =	simm.s32 $0x108;
	_ =	swait.ge @!p0 [sflag:s8], $0x0  }
0x24: {  	s3 =	sadd.s32 $0x88, s3;
	s6 =	simm.s32 @!p1 $0x1082;
	[sflag:s4] =	ssyncset.s32 $0xFFFFF086  }
0x25: {  	[simem:s6], [sflag:s4] =	dma.local [hbm:s3], $0xF7A  }
0x26: {  	[smem:$0x3F9B] =	sst s1;
	(tag) =	ssettag s2;
	_ =	strace s9  }
0x27: {  	s1 =	sld [smem:$0x3FAB]  }
0x28: {  	s2 =	sld [smem:$0x3FAC]  }
0x29: {  	s4 =	sld [smem:$0x3FAE]  }
0x2a: {  	p0 =	seq.s32 s5, $0x0;
	s5 =	sld [smem:$0x3FAF]  }
0x2b: {  	s6 =	sld [smem:$0x3FB0]  }
0x2c: {  	s7 =	sld [smem:$0x3FB1]  }
0x2d: {  	s3 =	simm.s32 $0x108;
	s8 =	sld [smem:$0x3FB2]  }
0x2e: {  	s3 =	simm.s32 @!p0 $0x1082;
	s9 =	sld [smem:$0x3FB3]  }
0x2f: {  	lr =	sadd.s32 s0, s3;
	s0 =	sld [smem:$0x3FAA]  }
0x30: {  	s3 =	sld [smem:$0x3FAD]  }
0x31: {  	[smem:$0x3FB6] =	sst s10  }
0x32: {  	s10 =	sld [smem:$0x3FB4];
	_ =	sdelay $0x3  }
0x33: {  	p0 =	seq.s32 s10, $0x1;
	s10 =	sld [smem:$0x3FB6];
	_ =	sdelay $0x3  }
0x34: {  	[smem:$0x3FB6] =	sst s10  }
0x35: {  	s10 =	sld [smem:$0x3FB5];
	_ =	sdelay $0x3  }
0x36: {  	p1 =	seq.s32 s10, $0x1;
	s10 =	sld [smem:$0x3FB6];
	_ =	sdelay $0x3  }
0x37: {  	[smem:$0x3FB6] =	sst s10  }
0x38: {  	s10 =	sld [smem:$0x3FB7]  }
0x39: {  	_ = 	snop;
	(pc) =	sbr.ind lr, $3  }
0x3a: {  	_ = 	snop  }
0x3b: {  	_ = 	snop  }
0x3c: {  	p2 =	seq.s32 s10, $0x1;
	s10 =	sld [smem:$0x3FB6]  }
0x3d: {  	_ =	shalt  }
0x3e: {  	_ =	shalt  }
0x3f: {  	_ =	shalt  }
0x40: {  	_ =	shalt  }
0x41: {  	_ =	shalt  }
0x42: {  	_ =	shalt  }
0x43: {  	_ =	shalt  }
0x44: {  	_ =	shalt  }
0x45: {  	_ =	shalt  }
0x46: {  	_ =	shalt  }
0x47: {  	_ =	shalt  }
0x48: {  	_ =	shalt  }
0x49: {  	_ =	shalt  }
0x4a: {  	_ =	shalt  }
0x4b: {  	_ =	shalt  }
0x4c: {  	_ =	shalt  }
0x4d: {  	_ =	shalt  }
0x4e: {  	_ =	shalt  }
0x4f: {  	_ =	shalt  }
0x50: {  	_ =	shalt  }
0x51: {  	_ =	shalt  }
0x52: {  	_ =	shalt  }
0x53: {  	_ =	shalt  }
0x54: {  	_ =	shalt  }
0x55: {  	_ =	shalt  }
0x56: {  	_ =	shalt  }
0x57: {  	_ =	shalt  }
0x58: {  	_ =	shalt  }
0x59: {  	_ =	shalt  }
0x5a: {  	_ =	shalt  }
0x5b: {  	_ =	shalt  }
0x5c: {  	_ =	shalt  }
0x5d: {  	_ =	shalt  }
0x5e: {  	_ =	shalt  }
0x5f: {  	_ =	shalt  }
0x60: {  	_ =	shalt  }
0x61: {  	_ =	shalt  }
0x62: {  	_ =	shalt  }
0x63: {  	_ =	shalt  }
0x64: {  	_ =	shalt  }
0x65: {  	_ =	shalt  }
0x66: {  	_ =	shalt  }
0x67: {  	_ =	shalt  }
0x68: {  	_ =	shalt  }
0x69: {  	_ =	shalt  }
0x6a: {  	_ =	shalt  }
0x6b: {  	_ =	shalt  }
0x6c: {  	_ =	shalt  }
0x6d: {  	_ =	shalt  }
0x6e: {  	_ =	shalt  }
0x6f: {  	_ =	shalt  }
0x70: {  	_ =	shalt  }
0x71: {  	_ =	shalt  }
0x72: {  	_ =	shalt  }
0x73: {  	_ =	shalt  }
0x74: {  	_ =	shalt  }
0x75: {  	_ =	shalt  }
0x76: {  	_ =	shalt  }
0x77: {  	_ =	shalt  }
0x78: {  	_ =	shalt  }
0x79: {  	_ =	shalt  }
0x7a: {  	_ =	shalt  }
0x7b: {  	_ =	shalt  }
0x7c: {  	_ =	shalt  }
0x7d: {  	_ =	shalt  }
0x7e: {  	_ =	shalt  }
0x7f: {  	_ =	shalt  }
0x80: {  	_ =	shalt  }
0x81: {  	_ =	shalt  }
0x82: {  	_ =	shalt  }
0x83: {  	_ =	shalt  }
0x84: {  	_ =	shalt  }
0x85: {  	_ =	shalt  }
0x86: {  	_ =	shalt  }
0x87: {  	_ =	shalt  }
.Lfunc_end0:
.L_simem_size_0:
called_computation_lowered:
.L_overlay_start_0:
0x88: {  	s2 =	sld [smem:$0x3FD9]  }
0x89: {  	s3 =	sld [smem:$0x3FFE];
	_ =	sdelay $0x1  }
0x8a: {  	s1 =	srdreg.scid  }
0x8b: {  	s0 =	sand.u32 $0x1, s1  }
0x8c: {  	s17 =	sshll.u32 s0, $0xA;
	s2 =	sadd.s32 s3, s2  }
0x8d: {  	s2 =	sadd.s32 s2, s17  }
0x8e: {  	[smem:$0x3FC2] =	sst s2  }
0x8f: {  	_ = 	snop  }
0x90: {  	s2 =	sld [smem:$0x3FC9]  }
0x91: {  	s18 =	sld [smem:$0x3FD0];
	(tm) =	ssettm $0x1  }
0x92: {  	s4 =	sld [smem:$0x3FFB];
	_ =	sdelay $0x3  }
0x93: {  	_ =	strace s4  }
0x94: {  	s4 =	sld [smem:$0x3FFC];
	_ =	sdelay $0x3  }
0x95: {  	_ =	strace s4  }
0x96: {  	s4 =	sld [smem:$0x3FFD];
	_ =	sdelay $0x3  }
0x97: {  	_ =	strace s4  }
0x98: {  	_ =	strace $0x8FFFFFFF  }
0x99: {  	s19 =	sld [smem:$0x3FDB];
	_ =	sdelay $0x1  }
0x9a: {  	s5 =	simm.s32 $_scs_section_size  }
0x9b: {  	s6 =	simm.s32 $_size__tile_overlayer_lowered;
	s7 =	simm.s32 $_tile_overlayer_lowered  }
0x9c: {  	s22 =	simm.s32 $0x1BFF;
	s21 =	sshll.u32 s7, $0x1;
	s4 =	sadd.s32 s5, s19  }
0x9d: {  	s8 =	simm.s32 $0x0;
	s20 =	sshll.u32 s6, $0x1;
	s6 =	sadd.s32 s21, s4  }
0x9e: {  	[timem:s8], [sflag:s22] =	dma.local [hbm:s6], s20  }
0x9f: {  	_ =	swait.ge [sflag:s22], s20  }
0xa0: {  	s5 =	ssub.s32 $0x0, s20;
	[sflag:s22] =	ssyncset.done $0x0  }
0xa1: {  	[sflag:s22] =	ssyncadd.s32 s5;
	_ =	sdelay $0x1  }
0xa2: {  	s23 =	simm.s32 $0x1B8B  }
0xa3: {  	_ =	swait.ge [sflag:s23], $0x1  }
0xa4: {  	[sflag:s23] =	ssyncset.done $0x0  }
0xa5: {  	s25 =	simm.s32 $0x1B8E;
	s24 =	sld [smem:$0x3FFE];
	[sflag:s23] =	ssyncadd.s32 $0xFFFFFFFF  }
0xa6: {  	s26 =	simm.s32 $execute0_lowered;
	[smem:$0x3FD2] =	sst s25  }
0xa7: {  	s6 =	sshll.u32 s26, $0x1;
	_ =	strace $0x80000046;
	[dreg:$0x1] =	wrdreg $0xFFFFFFFF  }
0xa8: {  	s28 =	simm.s32 $_size_execute0_lowered;
	s4 =	sadd.s32 s4, s6;
	[dreg:$0x0] =	wrdreg $0x0  }
0xa9: {  	s6 =	sshll.u32 s28, $0x1;
	[dreg:$0x2] =	wrdreg s4  }
0xaa: {  	[dreg:$0x3] =	wrdreg s6  }
0xab: {  	[dreg:$0x4] =	wrdreg $0xC0  }
0xac: {  	_ =	task [dreg:s8], $0x5FFFF  }
0xad: {  	[dreg:$0x1] =	wrdreg $0xFFFFFFFF  }
0xae: {  	[dreg:$0x0] =	wrdreg $0x60  }
0xaf: {  	[dreg:$0x2] =	wrdreg s2  }
0xb0: {  	[dreg:$0x3] =	wrdreg s24  }
0xb1: {  	[dreg:$0x4] =	wrdreg s18  }
0xb2: {  	[dreg:$0x5] =	wrdreg $0xB0000  }
0xb3: {  	[dreg:$0x6] =	wrdreg $0x9  }
0xb4: {  	_ =	task.clear_ibuf [dreg:s8], $0x7FFFF;
	_ =	strace $0x90000046  }
0xb5: {  	s29 =	simm.s32 $0x9;
	_ =	strace $0x80000048  }
0xb6: {  	_ =	swait.ge [sflag:s29], $0x1  }
0xb7: {  	[sflag:s29] =	ssyncadd.s32 $0xFFFFFFFF  }
0xb8: {  	_ =	strace $0x90000048  }
0xb9: {  	_ =	sfence  }
0xba: {  	s30 =	sld [smem:$0x0];
	_ =	sdelay $0x2  }
0xbb: {  	s31 =	sshll.u32 s1, $0xD;
	s1 =	sshrl.u32 s1, $0x2  }
0xbc: {  	s3 =	sand.u32 $0x4000, s31;
	s1 =	sadd.s32 s1, s30  }
0xbd: {  	s0 =	sor.u32 s3, s0;
	s1 =	sshll.u32 s1, $0x11  }
0xbe: {  	s0 =	sor.u32 s1, s0  }
0xbf: {  	s0 =	sadd.s32 $0x8F2B, s0  }
0xc0: {  	[sflag:s0] =	ssyncadd.remote.s32 $0x1  }
0xc1: {  	_ =	sfence.sel $0xFFFF  }
0xc2: {  	[dreg:$0x0] =	wrdreg $0xFFFFFFFF;
	(pc) =	sbr.abs _section_cstart, $3  }
0xc3: {  	[dreg:$0x1] =	wrdreg $0xFFFFFFFF  }
0xc4: {  	_ =	task.clear_ibuf [dreg:s8], $0x2FFFF;
	_ =	strace $0x9FFFFFFF  }
0xc5: {  	(tm) =	ssettm $0x7FFFFFFF  }
tec
execute0_lowered:
.L_overlay_start_1:
0x0: {  	(tag) =	ssettag $0x1  }
0x1: {  	s1 =	rddreg [dreg:$0x0]  }
0x2: {  	s0 =	rddreg [dreg:$0x1]  }
0x3: {  	s2 =	rddreg [dreg:$0x2]  }
0x4: {  	s3 =	rddreg [dreg:$0x3]  }
0x5: {  	s4 =	srdreg.scid;
	s14 =	stileid.u32;
	s17 =	simm.s32 $0x8800  }
0x6: {  	s19 =	simm.s32 $0x50;
	s21 =	simm.s32 $0x80;
	s22 =	simm.s32 $0x3800  }
0x7: {  	s23 =	simm.s32 $0x1;
	s24 =	simm.s32 $0x2;
	s9 =	sand.u32 $0x1, s4  }
0x8: {  	s4 =	simm.s32 $0x0;
	s5 =	sshrl.u32 s14, $0x3;
	s12 =	smul.u32 $0x50000, s14  }
0x9: {  	s8 =	sshll.u32 s14, $0x7;
	s29 =	sshll.u32 s14, $0xF;
	s13 =	smul.u32 $0x14000, s14  }
0xa: {  	s30 =	sshll.u32 s14, $0x6;
	s6 =	smul.u32 $0x28000, s9;
	[smem:$0x7FF] =	sst s4  }
0xb: {  	s7 =	smul.u32 $0x14000, s5;
	s5 =	sadd.s32 $0x11400, s0;
	s8 =	sand.u32 $0x380, s8  }
0xc: {  	s11 =	ssub.s32 $0x2, s9;
	s28 =	smul.u32 $0x140000, s9;
	s9 =	sshll.u32 s9, $0xE  }
0xd: {  	_ =	strace $0x80000047;
	s25 =	sshrl.u32 s11, $0x1;
	s26 =	sshrl.u32 s12, $0x2  }
0xe: {  	s12 =	sor.u32 s9, s29;
	s9 =	sor.u32 $0x1C02, s30;
	s10 =	sadd.s32 s6, s7  }
0xf: {  	s6 =	sadd.s32 $0x1400, s0;
	s7 =	sadd.s32 $0x21A00, s0;
	s15 =	ssub.s32 s11, s25  }
0x10: {  	s16 =	sadd.s32 s26, s3;
	s31 =	sshrl.u32 s12, $0x3;
	s13 =	sadd.s32 s13, s28  }
.Ltmp0:
0x11: {  	s12 =	sor.u32 $0x400, s12;
	s25 =	simm.s32 $0x400;
	(pc) =	sbr.rel .LBB2_1-.Ltmp0, $4  }
0x12: {  	s26 =	simm.s32 $0x0;
	s8 =	sor.u32 s8, s10;
	s11 =	sadd.s32 s6, s31  }
0x13: {  	s13 =	sshrl.u32 s13, $0x3;
	s15 =	smax.u32 s15, $0x1;
	s10 =	sshrl.u32 s8, $0x3  }
0x14: {  	s16 =	sshrl.u32 s16, $0x3;
	s8 =	sadd.s32 $0x21400, s0;
	s0 =	sadd.s32 s10, s0  }
0x15: {  	v0 =	vimm.f32 $1.000000000e+00;
	s13 =	sadd.s32 s2, s13;
	s10 =	sadd.s32 s5, s31;
	s14 =	sadd.s32 $0x24200, s0  }
.LBB2_7:
0x16: {  	[bflag:$0x0] =	sbarrier.arrive $0xFFFF  }
0x17: {  	[hbm:s13], [sflag:s9] =	dma.local [spmem:s16], $0x2800  }
0x18: {  	s26 =	sadd.s32 $0x1, s26;
	_ =	swait.ge [sflag:s24], $0x2800  }
0x19: {  	p0 =	sne.s32 s26, s15;
	[sflag:s24] =	ssyncset.done $0x0  }
.Ltmp1:
0x1a: {  	[sflag:s24] =	ssyncadd.s32 $0xFFFFD800;
	(pc) =	sbr.rel @!p0 .LBB2_8-.Ltmp1, $4  }
0x1b: {  	[hbm4b:s14+s21] =	stream.strided.scatter [tilespmem:s17], [sflag:$0x2], $0x2800, s25, s21, $0x38;
	[tilespmem:$0x1F000] =	vst v63  }
0x1c: {  	_ =	swait.ge [sflag:s24], $0x2800  }
0x1d: {  	[sflag:s24] =	ssyncset.done $0x0  }
0x1e: {  	[sflag:s24] =	ssyncadd.s32 $0xFFFFD800  }
.LBB2_1:
0x1f: {  	[spmem:s16], [sflag:s9] =	dma.local [hbm:s7], $0x2800  }
0x20: {  	_ =	swait.ge [sflag:s24], $0x2800  }
0x21: {  	[sflag:s24] =	ssyncset.done $0x0  }
0x22: {  	[sflag:s24] =	ssyncadd.s32 $0xFFFFD800  }
0x23: {  	[tilespmem:s17], [sflag:$0x2] =	stream.linear.gather [hbm4b:s8+s4], $0x2800, $0x38;
	[tilespmem:$0x1F000] =	vst v63  }
0x24: {  	_ =	swait.ge [sflag:s24], $0x2800  }
0x25: {  	[sflag:s24] =	ssyncset.done $0x0  }
0x26: {  	[sflag:s24] =	ssyncadd.s32 $0xFFFFD800  }
0x27: {  	[bflag:$0x0] =	sbarrier.arrive $0xFFFF  }
0x28: {  	[tilespmem:s4], [sflag:$0x2] =	stream.linear.gather [hbm4b:s10+s4], $0x400, $0x38;
	[tilespmem:$0x1F000] =	vst v63  }
0x29: {  	_ =	swait.ge [sflag:s24], $0x400  }
0x2a: {  	[sflag:s24] =	ssyncset.done $0x0  }
0x2b: {  	s0 =	simm.s32 $0x800;
	[sflag:s24] =	ssyncadd.s32 $0xFFFFFC00  }
0x2c: {  	[tilespmem:s0], [sflag:$0x2] =	stream.linear.gather [hbm4b:s11+s4], $0x400, $0x38;
	[tilespmem:$0x1F000] =	vst v63  }
0x2d: {  	_ =	swait.ge [sflag:s24], $0x400  }
.Ltmp2:
0x2e: {  	[sflag:s24] =	ssyncset.done $0x0;
	(pc) =	sbr.rel .LBB2_2-.Ltmp2, $4  }
0x2f: {  	s31 =	simm.s32 $0x1000;
	[sflag:s24] =	ssyncadd.s32 $0xFFFFFC00  }
0x30: {  	[tilespmem:s31], [sflag:$0x1] =	stream.indirect.gather [hbm4b:s1+s19], $0x80, s4, s19, $0xb8;
	[tilespmem:$0x1F000] =	vst v63  }
0x31: {  	s28 =	simm.s32 $0x2;
	s29 =	simm.s32 $0x400  }
0x32: {  	[tilespmem:s22], [sflag:$0x1] =	stream.indirect.gather [hbm4b:s1+s19], $0x80, s21, s19, $0xb8;
	[tilespmem:$0x1F000] =	vst v63  }
.LBB2_3:
0x33: {  	s2 =	sshll.u32 s2, $0xA  }
0x34: {  	s2 =	sadd.s32 s2, s12  }
0x35: {  	s2 =	sshrl.u32 s2, $0x3  }
0x36: {  	s18 =	sxor.u32 $0x400, s0;
	s20 =	sadd.s32 s5, s2  }
0x37: {  	[tilespmem:s18], [sflag:$0x2] =	stream.linear.gather [hbm4b:s20+s4], $0x400, $0x38;
	[tilespmem:$0x1F000] =	vst v63  }
0x38: {  	_ =	swait.ge [sflag:s24], $0x400  }
0x39: {  	[sflag:s24] =	ssyncset.done $0x0  }
0x3a: {  	s2 =	sadd.s32 s6, s2;
	s20 =	sxor.u32 $0xC00, s0;
	[sflag:s24] =	ssyncadd.s32 $0xFFFFFC00  }
0x3b: {  	[tilespmem:s20], [sflag:$0x2] =	stream.linear.gather [hbm4b:s2+s4], $0x400, $0x38;
	[tilespmem:$0x1F000] =	vst v63  }
0x3c: {  	_ =	swait.ge [sflag:s24], $0x400  }
0x3d: {  	[sflag:s24] =	ssyncset.done $0x0  }
0x3e: {  	[sflag:s24] =	ssyncadd.s32 $0xFFFFFC00  }
.LBB2_5:
0x3f: {  	s2 =	smul.u32 $0xAB, s28;
	_ =	sdelay $0x1  }
0x40: {  	s2 =	sshrl.u32 s2, $0x9  }
0x41: {  	s2 =	sand.u32 $0x7F, s2  }
0x42: {  	s2 =	smul.u32 $0x3, s2;
	_ =	sdelay $0x1  }
0x43: {  	s2 =	ssub.s32 s28, s2  }
0x44: {  	s2 =	sand.u32 $0xFF, s2  }
0x45: {  	s2 =	smul.u32 $0xA000, s2;
	_ =	sdelay $0x1  }
0x46: {  	s18 =	sand.u32 $0x1E00, s29;
	s2 =	sshrl.u32 s2, $0x2  }
0x47: {  	s18 =	sshrl.u32 s18, $0x2;
	s2 =	sadd.s32 $0x1000, s2  }
0x48: {  	[tilespmem:s2], [sflag:$0x1] =	stream.indirect.gather [hbm4b:s1+s19], $0x80, s18, s19, $0xb8;
	[tilespmem:$0x1F000] =	vst v63  }
.LBB2_6:
0x49: {  	s2 =	sshll.u32 s31, $0x7  }
0x4a: {  	s0 =	sor.u32 s2, s0  }
0x4b: {  	v1 =	vld [tilespmem:s0+$0x800];
	_ =	sdelay $0x7  }
0x4c: {  	[tilespmem:v1+s17+$0x0] =	vst.idx.add.f32.msk $0xffff, v0  }
0x4d: {  	v1 =	vld [tilespmem:s0+$0x810];
	_ =	sdelay $0x7  }
0x4e: {  	[tilespmem:v1+s17+$0x0] =	vst.idx.add.f32.msk $0xffff, v0  }
0x4f: {  	v1 =	vld [tilespmem:s0+$0x820];
	_ =	sdelay $0x7  }
0x50: {  	[tilespmem:v1+s17+$0x0] =	vst.idx.add.f32.msk $0xffff, v0  }
0x51: {  	v1 =	vld [tilespmem:s0+$0x830];
	_ =	sdelay $0x5  }
0x52: {  	s31 =	smul.u32 $0xAB, s30;
	_ =	sdelay $0x1  }
0x53: {  	s2 =	sshrl.u32 s31, $0x9;
	[tilespmem:v1+s17+$0x0] =	vst.idx.add.f32.msk $0xffff, v0  }
0x54: {  	s2 =	sand.u32 $0x7F, s2;
	v1 =	vld [tilespmem:s0+$0x840]  }
0x55: {  	s2 =	smul.u32 $0x3, s2;
	_ =	sdelay $0x1  }
0x56: {  	s2 =	ssub.s32 s30, s2  }
0x57: {  	s2 =	sand.u32 $0xFF, s2  }
0x58: {  	s2 =	smul.u32 $0xA000, s2  }
0x59: {  	s29 =	sadd.s32 $0x200, s29  }
0x5a: {  	p0 =	sne.s32 s29, $0x10400;
	s2 =	sshrl.u32 s2, $0x2  }
.Ltmp3:
0x5b: {  	s2 =	sadd.s32 $0x1000, s2;
	s0 =	sor.u32 $0x800, s0;
	[tilespmem:v1+s17+$0x0] =	vst.idx.add.f32.msk $0xffff, v0;
	(pc) =	sbr.rel @!p0 .LBB2_7-.Ltmp3, $4  }
0x5c: {  	[spmem:s3] =	stream.indirect.scatter.add.f32 [tilespmem:s2], [sflag:$0x2], $0x80, s0, s19, $0xb8;
	[tilespmem:$0x1F000] =	vst v63  }
0x5d: {  	_ =	swait.ge [sflag:s24], $0x2800  }
0x5e: {  	[sflag:s24] =	ssyncset.done $0x0  }
0x5f: {  	s28 =	sadd.s32 $0x1, s28;
	[sflag:s24] =	ssyncadd.s32 $0xFFFFD800  }
.LBB2_2:
0x60: {  	s30 =	sadd.s32 $0xFFFFFFFE, s28  }
0x61: {  	s31 =	sand.u32 $0x7, s30;
	p0 =	sgt.u32 s30, $0x77  }
0x62: {  	p1 =	sne.s32 @!p0 s31, $0x0  }
0x63: {  	p0 =	por p0, p1  }
.Ltmp4:
0x64: {  	_ = 	snop;
	(pc) =	sbr.rel @!p0 .LBB2_3-.Ltmp4, $4  }
0x65: {  	_ = 	snop  }
0x66: {  	_ =	swait.ge [sflag:s23], $0x2800;
	s2 =	sshrl.u32 s30, $0x3  }
0x67: {  	[sflag:s23] =	ssyncset.done $0x0;
	s0 =	sand.u32 $0x1, s2  }
0x68: {  	[sflag:s23] =	ssyncadd.s32 $0xFFFFD800;
	s0 =	sshll.u32 s0, $0xA  }
0x69: {  	p0 =	sgt.u32 s30, $0x7D  }
.Ltmp5:
0x6a: {  	_ = 	snop;
	(pc) =	sbr.rel @p0 .LBB2_6-.Ltmp5, $4  }
.Ltmp6:
0x6b: {  	_ = 	snop;
	(pc) =	sbr.rel @!p0 .LBB2_5-.Ltmp6, $4  }
0x6c: {  	_ = 	snop  }
0x6d: {  	_ = 	snop  }
0x6e: {  	_ = 	snop  }
0x6f: {  	_ = 	snop  }
.LBB2_8:
0x70: {  	_ =	sfence.sel $0x180000  }
0x71: {  	[bflag:$0x0] =	sbarrier.arrive $0xFFFF  }
0x72: {  	_ =	strace $0x90000047  }
0x73: {  	s0 =	stileid.u32;
	[bflag:$0x2] =	sbarrier.arrive $0xFFFF  }
0x74: {  	p0 =	sne.s32 s0, $0x0;
	s0 =	rddreg [dreg:$0x4]  }
0x75: {  	s0 =	sadd.s32 @!p0 $0x100000, s0  }
0x76: {  	[sflag:s0] =	ssyncadd.tile.s32 @!p0 $0x1;
	_ =	shalt  }
.Lfunc_end2:
_tile_overlayer_lowered:
.L_overlay_start_2:
0x77: {  	(tag) =	ssettag $0x2  }
0x78: {  	s0 =	rddreg [dreg:$0x0];
	s2 =	stileid.u32  }
0x79: {  	s1 =	rddreg [dreg:$0x1];
	p0 =	sne.s32 s2, $0x0  }
0x7a: {  	s3 =	rddreg [dreg:$0x2];
	[bflag:$0x3] =	sbarrier.arrive $0xFFFF;
	s2 =	simm.s32 @!p0 $0x1C02  }
0x7b: {  	[timem:s3], [sflag:s2] =	dma.local @!p0 [hbm:s0], s1  }
0x7c: {  	s0 =	simm.s32 @!p0 $0x2  }
0x7d: {  	_ =	swait.ge @!p0 [sflag:s0], s1  }
0x7e: {  	s1 =	ssub.s32 @!p0 $0x0, s1;
	[sflag:s0] =	ssyncset.done @!p0 $0x0  }
0x7f: {  	[sflag:s0] =	ssyncadd.s32 @!p0 s1  }
0x80: {  	[bflag:$0x3] =	sbarrier.arrive $0xFFFF  }
0x81: {  	_ =	shalt  }

</sc_bundles>
